<compile_context>
chip_gen: v7x
topology: tpu7x:2x2x1
jax: 0.10.2.dev20260603
libtpu: 0.0.44.dev20260713+nightly
codegen_flags: <defaults>
</compile_context>

<pallas_src>
import functools

import jax
import jax.numpy as jnp
from jax import lax
from jax.experimental import pallas as pl
from jax.experimental.pallas import tpu as pltpu
from jax.experimental.pallas import tpu_sc as plsc

MAX_S = 5000
D = 768
B = 16384

NC = 2
NS = 16
NW = NC * NS
B_PER_W = B // NW
CH = 32
NCHUNK = B_PER_W // CH
NBUF = 5


def _make_sc_gather():
    @functools.partial(
        pl.kernel,
        mesh=plsc.VectorSubcoreMesh(core_axis_name="c", subcore_axis_name="s"),
        out_type=jax.ShapeDtypeStruct((B, D), jnp.float32),
        scratch_types=(
            [pltpu.VMEM((NCHUNK, CH), jnp.int32)]
            + [pltpu.VMEM((CH, D), jnp.float32) for _ in range(NBUF)]
            + [pltpu.SemaphoreType.DMA for _ in range(2 * NBUF)]
        ),
    )
    def sc_gather(table_hbm, idx_hbm, out_hbm, idx_v, *rest):
        bufs = rest[:NBUF]
        gsems = rest[NBUF:2 * NBUF]
        ssems = rest[2 * NBUF:]
        wid = lax.axis_index("s") * NC + lax.axis_index("c")
        base = wid * B_PER_W
        pltpu.sync_copy(idx_hbm.at[wid], idx_v)
        gathers = [None] * NCHUNK
        stores = [None] * NCHUNK
        for g in range(min(NBUF, NCHUNK)):
            gathers[g] = pltpu.async_copy(
                table_hbm.at[idx_v.at[g]], bufs[g], gsems[g])
        for g in range(NCHUNK):
            s = g % NBUF
            gathers[g].wait()
            stores[g] = pltpu.async_copy(
                bufs[s], out_hbm.at[pl.ds(base + g * CH, CH)], ssems[s])
            prev = g - 2
            nxt = prev + NBUF
            if prev >= 0 and nxt < NCHUNK:
                stores[prev].wait()
                gathers[nxt] = pltpu.async_copy(
                    table_hbm.at[idx_v.at[nxt]], bufs[prev % NBUF],
                    gsems[prev % NBUF])
        for g in range(max(0, NCHUNK - NBUF), NCHUNK):
            stores[g].wait()

    return sc_gather


def kernel(pe, sentence_position):
    table = pe.reshape(MAX_S, D)
    idx = sentence_position.reshape(NW, NCHUNK, CH)
    out = _make_sc_gather()(table, idx)
    return out.reshape(1, B, D)

# --- scband reference (transcript-rebuilt; emitter-appended) ---
"""Pipeline reference for scband-document-level-positional-encoding-2010044694687 (READ-ONLY COPY).

The authoritative reference and input builder live on the scoring server;
editing this copy changes nothing except your own understanding.
"""

import jax, jax.numpy as jnp
import numpy as np

MAX_SENTENCES = 5000
D_MODEL = 768
BATCH = 16384

def _make_pe(max_sentences=MAX_SENTENCES, d_model=D_MODEL):
    position = jnp.arange(0, max_sentences, dtype=jnp.float32)[:, None]
    div_term = jnp.exp(jnp.arange(0, d_model, 2, dtype=jnp.float32) * (-jnp.log(jnp.float32(10000.0)) / d_model))
    pe = jnp.zeros((max_sentences, d_model), dtype=jnp.float32)
    pe = pe.at[:, 0::2].set(jnp.sin(position * div_term))
    pe = pe.at[:, 1::2].set(jnp.cos(position * div_term))
    return pe[None, :, :]  # [1, max_sentences, d_model]

def setup_inputs(seed: int = 0) -> dict:
    key = jax.random.key(seed)
    sentence_position = jax.random.randint(key, (BATCH,), 0, MAX_SENTENCES, dtype=jnp.int32)
    pe = _make_pe()
    return {"pe": pe, "sentence_position": sentence_position}

def reference(pe, sentence_position):
    # Faithful translation of: self.pe[:, sentence_position, :]
    # gather along sentence axis -> SparseCore gather
    return pe[:, sentence_position, :]

if __name__ == "__main__":
    import jax
    _d = setup_inputs()
    print(jax.jit(kernel)(*tuple(_d.values())))

</pallas_src>

<mosaic_0001>
#map = affine_map<(d0, d1) -> (0, 0)>
#map1 = affine_map<(d0, d1) -> (0, 0, 0)>
module attributes {stable_mosaic.version = 14 : i64} {
  func.func @sc_gather(%arg0: i32, %arg1: i32, %arg2: memref<5000x768xf32, #tpu.memory_space<hbm>>, %arg3: memref<32x16x32xi32, #tpu.memory_space<hbm>>, %arg4: memref<16384x768xf32, #tpu.memory_space<hbm>>, %arg5: memref<16x32xi32, #tpu.memory_space<vmem>>, %arg6: memref<32x768xf32, #tpu.memory_space<vmem>>, %arg7: memref<32x768xf32, #tpu.memory_space<vmem>>, %arg8: memref<32x768xf32, #tpu.memory_space<vmem>>, %arg9: memref<32x768xf32, #tpu.memory_space<vmem>>, %arg10: memref<32x768xf32, #tpu.memory_space<vmem>>, %arg11: memref<!tpu.dma_semaphore, #tpu.memory_space<semaphore_mem>>, %arg12: memref<!tpu.dma_semaphore, #tpu.memory_space<semaphore_mem>>, %arg13: memref<!tpu.dma_semaphore, #tpu.memory_space<semaphore_mem>>, %arg14: memref<!tpu.dma_semaphore, #tpu.memory_space<semaphore_mem>>, %arg15: memref<!tpu.dma_semaphore, #tpu.memory_space<semaphore_mem>>, %arg16: memref<!tpu.dma_semaphore, #tpu.memory_space<semaphore_mem>>, %arg17: memref<!tpu.dma_semaphore, #tpu.memory_space<semaphore_mem>>, %arg18: memref<!tpu.dma_semaphore, #tpu.memory_space<semaphore_mem>>, %arg19: memref<!tpu.dma_semaphore, #tpu.memory_space<semaphore_mem>>, %arg20: memref<!tpu.dma_semaphore, #tpu.memory_space<semaphore_mem>>) attributes {dimension_semantics = [#tpu.dimension_semantics<core_parallel>, #tpu.dimension_semantics<subcore_parallel>], iteration_bounds = array<i64: 2, 16>, scalar_prefetch = 0 : i64, scratch_operands = 16 : i64, tpu.core_type = #tpu.core_type<sc_vector_subcore>, window_params = [{transform_indices = #map}, {transform_indices = #map1}, {transform_indices = #map}]} {
    %mul3A = arith.constant 2 : i32
    %mul3A_0 = arith.muli %arg1, %mul3A : i32
    %add3A = arith.addi %mul3A_0, %arg0 : i32
    %mul3A_1 = arith.constant 512 : i32
    %mul3A_2 = arith.muli %add3A, %mul3A_1 : i32
    "tpu.region"() ({
      %run_scoped3A = tpu.sem_alloc : memref<!tpu.dma_semaphore, #tpu.memory_space<semaphore_mem>>
      %dma_start3A_385 = arith.constant 0 : i32
      %dma_start3A_386 = arith.constant 0 : i32
      %dma_start3A_387 = tpu.memref_slice %arg3[%add3A, %dma_start3A_385, %dma_start3A_386] : memref<32x16x32xi32, #tpu.memory_space<hbm>> -> memref<1x16x32xi32, #tpu.memory_space<hbm>>
      %dma_start3A_388 = tpu.memref_squeeze %dma_start3A_387 : memref<1x16x32xi32, #tpu.memory_space<hbm>> -> memref<16x32xi32, #tpu.memory_space<hbm>>
      %dma_start3A_389 = arith.constant 0 : i32
      %dma_start3A_390 = arith.constant 0 : i32
      %dma_start3A_391 = tpu.memref_slice %arg3[%add3A, %dma_start3A_389, %dma_start3A_390] : memref<32x16x32xi32, #tpu.memory_space<hbm>> -> memref<1x16x32xi32, #tpu.memory_space<hbm>>
      %dma_start3A_392 = tpu.memref_squeeze %dma_start3A_391 : memref<1x16x32xi32, #tpu.memory_space<hbm>> -> memref<16x32xi32, #tpu.memory_space<hbm>>
      tpu.enqueue_dma source(%dma_start3A_392 : memref<16x32xi32, #tpu.memory_space<hbm>>) target(%arg5 : memref<16x32xi32, #tpu.memory_space<vmem>>) target_semaphore(%run_scoped3A : memref<!tpu.dma_semaphore, #tpu.memory_space<semaphore_mem>>)
      %dma_wait3A_393 = arith.constant 0 : i32
      %dma_wait3A_394 = arith.constant 0 : i32
      %dma_wait3A_395 = tpu.memref_slice %arg3[%add3A, %dma_wait3A_393, %dma_wait3A_394] : memref<32x16x32xi32, #tpu.memory_space<hbm>> -> memref<1x16x32xi32, #tpu.memory_space<hbm>>
      %dma_wait3A_396 = tpu.memref_squeeze %dma_wait3A_395 : memref<1x16x32xi32, #tpu.memory_space<hbm>> -> memref<16x32xi32, #tpu.memory_space<hbm>>
      %dma_wait3A_397 = arith.constant 0 : i32
      %dma_wait3A_398 = arith.constant 0 : i32
      %dma_wait3A_399 = tpu.memref_slice %arg3[%add3A, %dma_wait3A_397, %dma_wait3A_398] : memref<32x16x32xi32, #tpu.memory_space<hbm>> -> memref<1x16x32xi32, #tpu.memory_space<hbm>>
      %dma_wait3A_400 = tpu.memref_squeeze %dma_wait3A_399 : memref<1x16x32xi32, #tpu.memory_space<hbm>> -> memref<16x32xi32, #tpu.memory_space<hbm>>
      tpu.wait_dma2 semaphore(%run_scoped3A : memref<!tpu.dma_semaphore, #tpu.memory_space<semaphore_mem>>) src(%dma_wait3A_400 : memref<16x32xi32, #tpu.memory_space<hbm>>) dst(%arg5 : memref<16x32xi32, #tpu.memory_space<vmem>>)
      tpu.yield
    }) : () -> ()
    %dma_start3A = arith.constant 0 : i32
    %dma_start3A_3 = arith.constant 0 : i32
    %dma_start3A_4 = tpu.memref_slice %arg5[%dma_start3A, %dma_start3A_3] : memref<16x32xi32, #tpu.memory_space<vmem>> -> memref<1x32xi32, #tpu.memory_space<vmem>>
    %dma_start3A_5 = tpu.memref_squeeze %dma_start3A_4 : memref<1x32xi32, #tpu.memory_space<vmem>> -> memref<32xi32, #tpu.memory_space<vmem>>
    %dma_start3A_6 = arith.constant 0 : i32
    %dma_start3A_7 = arith.constant 0 : i32
    %dma_start3A_8 = tpu.memref_slice %arg2[%dma_start3A_6, %dma_start3A_7] : memref<5000x768xf32, #tpu.memory_space<hbm>> -> memref<5000x768xf32, #tpu.memory_space<hbm>>
    tpu.enqueue_indirect_dma source(%dma_start3A_8 : memref<5000x768xf32, #tpu.memory_space<hbm>>) target(%arg6 : memref<32x768xf32, #tpu.memory_space<vmem>>) offsets(%dma_start3A_5 : memref<32xi32, #tpu.memory_space<vmem>>) semaphore(%arg11 : memref<!tpu.dma_semaphore, #tpu.memory_space<semaphore_mem>>)
    %dma_start3A_9 = arith.constant 1 : i32
    %dma_start3A_10 = arith.constant 0 : i32
    %dma_start3A_11 = tpu.memref_slice %arg5[%dma_start3A_9, %dma_start3A_10] : memref<16x32xi32, #tpu.memory_space<vmem>> -> memref<1x32xi32, #tpu.memory_space<vmem>>
    %dma_start3A_12 = tpu.memref_squeeze %dma_start3A_11 : memref<1x32xi32, #tpu.memory_space<vmem>> -> memref<32xi32, #tpu.memory_space<vmem>>
    %dma_start3A_13 = arith.constant 0 : i32
    %dma_start3A_14 = arith.constant 0 : i32
    %dma_start3A_15 = tpu.memref_slice %arg2[%dma_start3A_13, %dma_start3A_14] : memref<5000x768xf32, #tpu.memory_space<hbm>> -> memref<5000x768xf32, #tpu.memory_space<hbm>>
    tpu.enqueue_indirect_dma source(%dma_start3A_15 : memref<5000x768xf32, #tpu.memory_space<hbm>>) target(%arg7 : memref<32x768xf32, #tpu.memory_space<vmem>>) offsets(%dma_start3A_12 : memref<32xi32, #tpu.memory_space<vmem>>) semaphore(%arg12 : memref<!tpu.dma_semaphore, #tpu.memory_space<semaphore_mem>>)
    %dma_start3A_16 = arith.constant 2 : i32
    %dma_start3A_17 = arith.constant 0 : i32
    %dma_start3A_18 = tpu.memref_slice %arg5[%dma_start3A_16, %dma_start3A_17] : memref<16x32xi32, #tpu.memory_space<vmem>> -> memref<1x32xi32, #tpu.memory_space<vmem>>
    %dma_start3A_19 = tpu.memref_squeeze %dma_start3A_18 : memref<1x32xi32, #tpu.memory_space<vmem>> -> memref<32xi32, #tpu.memory_space<vmem>>
    %dma_start3A_20 = arith.constant 0 : i32
    %dma_start3A_21 = arith.constant 0 : i32
    %dma_start3A_22 = tpu.memref_slice %arg2[%dma_start3A_20, %dma_start3A_21] : memref<5000x768xf32, #tpu.memory_space<hbm>> -> memref<5000x768xf32, #tpu.memory_space<hbm>>
    tpu.enqueue_indirect_dma source(%dma_start3A_22 : memref<5000x768xf32, #tpu.memory_space<hbm>>) target(%arg8 : memref<32x768xf32, #tpu.memory_space<vmem>>) offsets(%dma_start3A_19 : memref<32xi32, #tpu.memory_space<vmem>>) semaphore(%arg13 : memref<!tpu.dma_semaphore, #tpu.memory_space<semaphore_mem>>)
    %dma_start3A_23 = arith.constant 3 : i32
    %dma_start3A_24 = arith.constant 0 : i32
    %dma_start3A_25 = tpu.memref_slice %arg5[%dma_start3A_23, %dma_start3A_24] : memref<16x32xi32, #tpu.memory_space<vmem>> -> memref<1x32xi32, #tpu.memory_space<vmem>>
    %dma_start3A_26 = tpu.memref_squeeze %dma_start3A_25 : memref<1x32xi32, #tpu.memory_space<vmem>> -> memref<32xi32, #tpu.memory_space<vmem>>
    %dma_start3A_27 = arith.constant 0 : i32
    %dma_start3A_28 = arith.constant 0 : i32
    %dma_start3A_29 = tpu.memref_slice %arg2[%dma_start3A_27, %dma_start3A_28] : memref<5000x768xf32, #tpu.memory_space<hbm>> -> memref<5000x768xf32, #tpu.memory_space<hbm>>
    tpu.enqueue_indirect_dma source(%dma_start3A_29 : memref<5000x768xf32, #tpu.memory_space<hbm>>) target(%arg9 : memref<32x768xf32, #tpu.memory_space<vmem>>) offsets(%dma_start3A_26 : memref<32xi32, #tpu.memory_space<vmem>>) semaphore(%arg14 : memref<!tpu.dma_semaphore, #tpu.memory_space<semaphore_mem>>)
    %dma_start3A_30 = arith.constant 4 : i32
    %dma_start3A_31 = arith.constant 0 : i32
    %dma_start3A_32 = tpu.memref_slice %arg5[%dma_start3A_30, %dma_start3A_31] : memref<16x32xi32, #tpu.memory_space<vmem>> -> memref<1x32xi32, #tpu.memory_space<vmem>>
    %dma_start3A_33 = tpu.memref_squeeze %dma_start3A_32 : memref<1x32xi32, #tpu.memory_space<vmem>> -> memref<32xi32, #tpu.memory_space<vmem>>
    %dma_start3A_34 = arith.constant 0 : i32
    %dma_start3A_35 = arith.constant 0 : i32
    %dma_start3A_36 = tpu.memref_slice %arg2[%dma_start3A_34, %dma_start3A_35] : memref<5000x768xf32, #tpu.memory_space<hbm>> -> memref<5000x768xf32, #tpu.memory_space<hbm>>
    tpu.enqueue_indirect_dma source(%dma_start3A_36 : memref<5000x768xf32, #tpu.memory_space<hbm>>) target(%arg10 : memref<32x768xf32, #tpu.memory_space<vmem>>) offsets(%dma_start3A_33 : memref<32xi32, #tpu.memory_space<vmem>>) semaphore(%arg15 : memref<!tpu.dma_semaphore, #tpu.memory_space<semaphore_mem>>)
    %dma_wait3A = arith.constant 0 : i32
    %dma_wait3A_37 = arith.constant 0 : i32
    %dma_wait3A_38 = tpu.memref_slice %arg5[%dma_wait3A, %dma_wait3A_37] : memref<16x32xi32, #tpu.memory_space<vmem>> -> memref<1x32xi32, #tpu.memory_space<vmem>>
    %dma_wait3A_39 = tpu.memref_squeeze %dma_wait3A_38 : memref<1x32xi32, #tpu.memory_space<vmem>> -> memref<32xi32, #tpu.memory_space<vmem>>
    %dma_wait3A_40 = arith.constant 0 : i32
    %dma_wait3A_41 = arith.constant 0 : i32
    %dma_wait3A_42 = tpu.memref_slice %arg2[%dma_wait3A_40, %dma_wait3A_41] : memref<5000x768xf32, #tpu.memory_space<hbm>> -> memref<5000x768xf32, #tpu.memory_space<hbm>>
    tpu.wait_indirect_dma semaphore(%arg11 : memref<!tpu.dma_semaphore, #tpu.memory_space<semaphore_mem>>) src(%dma_wait3A_42 : memref<5000x768xf32, #tpu.memory_space<hbm>>) dst(%arg6 : memref<32x768xf32, #tpu.memory_space<vmem>>)
    %add3A_43 = arith.constant 0 : i32
    %add3A_44 = arith.addi %mul3A_2, %add3A_43 : i32
    %dma_start3A_45 = arith.constant 0 : i32
    %dma_start3A_46 = tpu.memref_slice %arg4[%add3A_44, %dma_start3A_45] : memref<16384x768xf32, #tpu.memory_space<hbm>> -> memref<32x768xf32, #tpu.memory_space<hbm>>
    %dma_start3A_47 = arith.constant 0 : i32
    %dma_start3A_48 = tpu.memref_slice %arg4[%add3A_44, %dma_start3A_47] : memref<16384x768xf32, #tpu.memory_space<hbm>> -> memref<32x768xf32, #tpu.memory_space<hbm>>
    tpu.enqueue_dma source(%arg6 : memref<32x768xf32, #tpu.memory_space<vmem>>) target(%dma_start3A_48 : memref<32x768xf32, #tpu.memory_space<hbm>>) target_semaphore(%arg16 : memref<!tpu.dma_semaphore, #tpu.memory_space<semaphore_mem>>)
    %dma_wait3A_49 = arith.constant 1 : i32
    %dma_wait3A_50 = arith.constant 0 : i32
    %dma_wait3A_51 = tpu.memref_slice %arg5[%dma_wait3A_49, %dma_wait3A_50] : memref<16x32xi32, #tpu.memory_space<vmem>> -> memref<1x32xi32, #tpu.memory_space<vmem>>
    %dma_wait3A_52 = tpu.memref_squeeze %dma_wait3A_51 : memref<1x32xi32, #tpu.memory_space<vmem>> -> memref<32xi32, #tpu.memory_space<vmem>>
    %dma_wait3A_53 = arith.constant 0 : i32
    %dma_wait3A_54 = arith.constant 0 : i32
    %dma_wait3A_55 = tpu.memref_slice %arg2[%dma_wait3A_53, %dma_wait3A_54] : memref<5000x768xf32, #tpu.memory_space<hbm>> -> memref<5000x768xf32, #tpu.memory_space<hbm>>
    tpu.wait_indirect_dma semaphore(%arg12 : memref<!tpu.dma_semaphore, #tpu.memory_space<semaphore_mem>>) src(%dma_wait3A_55 : memref<5000x768xf32, #tpu.memory_space<hbm>>) dst(%arg7 : memref<32x768xf32, #tpu.memory_space<vmem>>)
    %add3A_56 = arith.constant 32 : i32
    %add3A_57 = arith.addi %mul3A_2, %add3A_56 : i32
    %dma_start3A_58 = arith.constant 0 : i32
    %dma_start3A_59 = tpu.memref_slice %arg4[%add3A_57, %dma_start3A_58] : memref<16384x768xf32, #tpu.memory_space<hbm>> -> memref<32x768xf32, #tpu.memory_space<hbm>>
    %dma_start3A_60 = arith.constant 0 : i32
    %dma_start3A_61 = tpu.memref_slice %arg4[%add3A_57, %dma_start3A_60] : memref<16384x768xf32, #tpu.memory_space<hbm>> -> memref<32x768xf32, #tpu.memory_space<hbm>>
    tpu.enqueue_dma source(%arg7 : memref<32x768xf32, #tpu.memory_space<vmem>>) target(%dma_start3A_61 : memref<32x768xf32, #tpu.memory_space<hbm>>) target_semaphore(%arg17 : memref<!tpu.dma_semaphore, #tpu.memory_space<semaphore_mem>>)
    %dma_wait3A_62 = arith.constant 2 : i32
    %dma_wait3A_63 = arith.constant 0 : i32
    %dma_wait3A_64 = tpu.memref_slice %arg5[%dma_wait3A_62, %dma_wait3A_63] : memref<16x32xi32, #tpu.memory_space<vmem>> -> memref<1x32xi32, #tpu.memory_space<vmem>>
    %dma_wait3A_65 = tpu.memref_squeeze %dma_wait3A_64 : memref<1x32xi32, #tpu.memory_space<vmem>> -> memref<32xi32, #tpu.memory_space<vmem>>
    %dma_wait3A_66 = arith.constant 0 : i32
    %dma_wait3A_67 = arith.constant 0 : i32
    %dma_wait3A_68 = tpu.memref_slice %arg2[%dma_wait3A_66, %dma_wait3A_67] : memref<5000x768xf32, #tpu.memory_space<hbm>> -> memref<5000x768xf32, #tpu.memory_space<hbm>>
    tpu.wait_indirect_dma semaphore(%arg13 : memref<!tpu.dma_semaphore, #tpu.memory_space<semaphore_mem>>) src(%dma_wait3A_68 : memref<5000x768xf32, #tpu.memory_space<hbm>>) dst(%arg8 : memref<32x768xf32, #tpu.memory_space<vmem>>)
    %add3A_69 = arith.constant 64 : i32
    %add3A_70 = arith.addi %mul3A_2, %add3A_69 : i32
    %dma_start3A_71 = arith.constant 0 : i32
    %dma_start3A_72 = tpu.memref_slice %arg4[%add3A_70, %dma_start3A_71] : memref<16384x768xf32, #tpu.memory_space<hbm>> -> memref<32x768xf32, #tpu.memory_space<hbm>>
    %dma_start3A_73 = arith.constant 0 : i32
    %dma_start3A_74 = tpu.memref_slice %arg4[%add3A_70, %dma_start3A_73] : memref<16384x768xf32, #tpu.memory_space<hbm>> -> memref<32x768xf32, #tpu.memory_space<hbm>>
    tpu.enqueue_dma source(%arg8 : memref<32x768xf32, #tpu.memory_space<vmem>>) target(%dma_start3A_74 : memref<32x768xf32, #tpu.memory_space<hbm>>) target_semaphore(%arg18 : memref<!tpu.dma_semaphore, #tpu.memory_space<semaphore_mem>>)
    %dma_wait3A_75 = arith.constant 0 : i32
    %dma_wait3A_76 = tpu.memref_slice %arg4[%add3A_44, %dma_wait3A_75] : memref<16384x768xf32, #tpu.memory_space<hbm>> -> memref<32x768xf32, #tpu.memory_space<hbm>>
    %dma_wait3A_77 = arith.constant 0 : i32
    %dma_wait3A_78 = tpu.memref_slice %arg4[%add3A_44, %dma_wait3A_77] : memref<16384x768xf32, #tpu.memory_space<hbm>> -> memref<32x768xf32, #tpu.memory_space<hbm>>
    tpu.wait_dma2 semaphore(%arg16 : memref<!tpu.dma_semaphore, #tpu.memory_space<semaphore_mem>>) src(%arg6 : memref<32x768xf32, #tpu.memory_space<vmem>>) dst(%dma_wait3A_78 : memref<32x768xf32, #tpu.memory_space<hbm>>)
    %dma_start3A_79 = arith.constant 5 : i32
    %dma_start3A_80 = arith.constant 0 : i32
    %dma_start3A_81 = tpu.memref_slice %arg5[%dma_start3A_79, %dma_start3A_80] : memref<16x32xi32, #tpu.memory_space<vmem>> -> memref<1x32xi32, #tpu.memory_space<vmem>>
    %dma_start3A_82 = tpu.memref_squeeze %dma_start3A_81 : memref<1x32xi32, #tpu.memory_space<vmem>> -> memref<32xi32, #tpu.memory_space<vmem>>
    %dma_start3A_83 = arith.constant 0 : i32
    %dma_start3A_84 = arith.constant 0 : i32
    %dma_start3A_85 = tpu.memref_slice %arg2[%dma_start3A_83, %dma_start3A_84] : memref<5000x768xf32, #tpu.memory_space<hbm>> -> memref<5000x768xf32, #tpu.memory_space<hbm>>
    tpu.enqueue_indirect_dma source(%dma_start3A_85 : memref<5000x768xf32, #tpu.memory_space<hbm>>) target(%arg6 : memref<32x768xf32, #tpu.memory_space<vmem>>) offsets(%dma_start3A_82 : memref<32xi32, #tpu.memory_space<vmem>>) semaphore(%arg11 : memref<!tpu.dma_semaphore, #tpu.memory_space<semaphore_mem>>)
    %dma_wait3A_86 = arith.constant 3 : i32
    %dma_wait3A_87 = arith.constant 0 : i32
    %dma_wait3A_88 = tpu.memref_slice %arg5[%dma_wait3A_86, %dma_wait3A_87] : memref<16x32xi32, #tpu.memory_space<vmem>> -> memref<1x32xi32, #tpu.memory_space<vmem>>
    %dma_wait3A_89 = tpu.memref_squeeze %dma_wait3A_88 : memref<1x32xi32, #tpu.memory_space<vmem>> -> memref<32xi32, #tpu.memory_space<vmem>>
    %dma_wait3A_90 = arith.constant 0 : i32
    %dma_wait3A_91 = arith.constant 0 : i32
    %dma_wait3A_92 = tpu.memref_slice %arg2[%dma_wait3A_90, %dma_wait3A_91] : memref<5000x768xf32, #tpu.memory_space<hbm>> -> memref<5000x768xf32, #tpu.memory_space<hbm>>
    tpu.wait_indirect_dma semaphore(%arg14 : memref<!tpu.dma_semaphore, #tpu.memory_space<semaphore_mem>>) src(%dma_wait3A_92 : memref<5000x768xf32, #tpu.memory_space<hbm>>) dst(%arg9 : memref<32x768xf32, #tpu.memory_space<vmem>>)
    %add3A_93 = arith.constant 96 : i32
    %add3A_94 = arith.addi %mul3A_2, %add3A_93 : i32
    %dma_start3A_95 = arith.constant 0 : i32
    %dma_start3A_96 = tpu.memref_slice %arg4[%add3A_94, %dma_start3A_95] : memref<16384x768xf32, #tpu.memory_space<hbm>> -> memref<32x768xf32, #tpu.memory_space<hbm>>
    %dma_start3A_97 = arith.constant 0 : i32
    %dma_start3A_98 = tpu.memref_slice %arg4[%add3A_94, %dma_start3A_97] : memref<16384x768xf32, #tpu.memory_space<hbm>> -> memref<32x768xf32, #tpu.memory_space<hbm>>
    tpu.enqueue_dma source(%arg9 : memref<32x768xf32, #tpu.memory_space<vmem>>) target(%dma_start3A_98 : memref<32x768xf32, #tpu.memory_space<hbm>>) target_semaphore(%arg19 : memref<!tpu.dma_semaphore, #tpu.memory_space<semaphore_mem>>)
    %dma_wait3A_99 = arith.constant 0 : i32
    %dma_wait3A_100 = tpu.memref_slice %arg4[%add3A_57, %dma_wait3A_99] : memref<16384x768xf32, #tpu.memory_space<hbm>> -> memref<32x768xf32, #tpu.memory_space<hbm>>
    %dma_wait3A_101 = arith.constant 0 : i32
    %dma_wait3A_102 = tpu.memref_slice %arg4[%add3A_57, %dma_wait3A_101] : memref<16384x768xf32, #tpu.memory_space<hbm>> -> memref<32x768xf32, #tpu.memory_space<hbm>>
    tpu.wait_dma2 semaphore(%arg17 : memref<!tpu.dma_semaphore, #tpu.memory_space<semaphore_mem>>) src(%arg7 : memref<32x768xf32, #tpu.memory_space<vmem>>) dst(%dma_wait3A_102 : memref<32x768xf32, #tpu.memory_space<hbm>>)
    %dma_start3A_103 = arith.constant 6 : i32
    %dma_start3A_104 = arith.constant 0 : i32
    %dma_start3A_105 = tpu.memref_slice %arg5[%dma_start3A_103, %dma_start3A_104] : memref<16x32xi32, #tpu.memory_space<vmem>> -> memref<1x32xi32, #tpu.memory_space<vmem>>
    %dma_start3A_106 = tpu.memref_squeeze %dma_start3A_105 : memref<1x32xi32, #tpu.memory_space<vmem>> -> memref<32xi32, #tpu.memory_space<vmem>>
    %dma_start3A_107 = arith.constant 0 : i32
    %dma_start3A_108 = arith.constant 0 : i32
    %dma_start3A_109 = tpu.memref_slice %arg2[%dma_start3A_107, %dma_start3A_108] : memref<5000x768xf32, #tpu.memory_space<hbm>> -> memref<5000x768xf32, #tpu.memory_space<hbm>>
    tpu.enqueue_indirect_dma source(%dma_start3A_109 : memref<5000x768xf32, #tpu.memory_space<hbm>>) target(%arg7 : memref<32x768xf32, #tpu.memory_space<vmem>>) offsets(%dma_start3A_106 : memref<32xi32, #tpu.memory_space<vmem>>) semaphore(%arg12 : memref<!tpu.dma_semaphore, #tpu.memory_space<semaphore_mem>>)
    %dma_wait3A_110 = arith.constant 4 : i32
    %dma_wait3A_111 = arith.constant 0 : i32
    %dma_wait3A_112 = tpu.memref_slice %arg5[%dma_wait3A_110, %dma_wait3A_111] : memref<16x32xi32, #tpu.memory_space<vmem>> -> memref<1x32xi32, #tpu.memory_space<vmem>>
    %dma_wait3A_113 = tpu.memref_squeeze %dma_wait3A_112 : memref<1x32xi32, #tpu.memory_space<vmem>> -> memref<32xi32, #tpu.memory_space<vmem>>
    %dma_wait3A_114 = arith.constant 0 : i32
    %dma_wait3A_115 = arith.constant 0 : i32
    %dma_wait3A_116 = tpu.memref_slice %arg2[%dma_wait3A_114, %dma_wait3A_115] : memref<5000x768xf32, #tpu.memory_space<hbm>> -> memref<5000x768xf32, #tpu.memory_space<hbm>>
    tpu.wait_indirect_dma semaphore(%arg15 : memref<!tpu.dma_semaphore, #tpu.memory_space<semaphore_mem>>) src(%dma_wait3A_116 : memref<5000x768xf32, #tpu.memory_space<hbm>>) dst(%arg10 : memref<32x768xf32, #tpu.memory_space<vmem>>)
    %add3A_117 = arith.constant 128 : i32
    %add3A_118 = arith.addi %mul3A_2, %add3A_117 : i32
    %dma_start3A_119 = arith.constant 0 : i32
    %dma_start3A_120 = tpu.memref_slice %arg4[%add3A_118, %dma_start3A_119] : memref<16384x768xf32, #tpu.memory_space<hbm>> -> memref<32x768xf32, #tpu.memory_space<hbm>>
    %dma_start3A_121 = arith.constant 0 : i32
    %dma_start3A_122 = tpu.memref_slice %arg4[%add3A_118, %dma_start3A_121] : memref<16384x768xf32, #tpu.memory_space<hbm>> -> memref<32x768xf32, #tpu.memory_space<hbm>>
    tpu.enqueue_dma source(%arg10 : memref<32x768xf32, #tpu.memory_space<vmem>>) target(%dma_start3A_122 : memref<32x768xf32, #tpu.memory_space<hbm>>) target_semaphore(%arg20 : memref<!tpu.dma_semaphore, #tpu.memory_space<semaphore_mem>>)
    %dma_wait3A_123 = arith.constant 0 : i32
    %dma_wait3A_124 = tpu.memref_slice %arg4[%add3A_70, %dma_wait3A_123] : memref<16384x768xf32, #tpu.memory_space<hbm>> -> memref<32x768xf32, #tpu.memory_space<hbm>>
    %dma_wait3A_125 = arith.constant 0 : i32
    %dma_wait3A_126 = tpu.memref_slice %arg4[%add3A_70, %dma_wait3A_125] : memref<16384x768xf32, #tpu.memory_space<hbm>> -> memref<32x768xf32, #tpu.memory_space<hbm>>
    tpu.wait_dma2 semaphore(%arg18 : memref<!tpu.dma_semaphore, #tpu.memory_space<semaphore_mem>>) src(%arg8 : memref<32x768xf32, #tpu.memory_space<vmem>>) dst(%dma_wait3A_126 : memref<32x768xf32, #tpu.memory_space<hbm>>)
    %dma_start3A_127 = arith.constant 7 : i32
    %dma_start3A_128 = arith.constant 0 : i32
    %dma_start3A_129 = tpu.memref_slice %arg5[%dma_start3A_127, %dma_start3A_128] : memref<16x32xi32, #tpu.memory_space<vmem>> -> memref<1x32xi32, #tpu.memory_space<vmem>>
    %dma_start3A_130 = tpu.memref_squeeze %dma_start3A_129 : memref<1x32xi32, #tpu.memory_space<vmem>> -> memref<32xi32, #tpu.memory_space<vmem>>
    %dma_start3A_131 = arith.constant 0 : i32
    %dma_start3A_132 = arith.constant 0 : i32
    %dma_start3A_133 = tpu.memref_slice %arg2[%dma_start3A_131, %dma_start3A_132] : memref<5000x768xf32, #tpu.memory_space<hbm>> -> memref<5000x768xf32, #tpu.memory_space<hbm>>
    tpu.enqueue_indirect_dma source(%dma_start3A_133 : memref<5000x768xf32, #tpu.memory_space<hbm>>) target(%arg8 : memref<32x768xf32, #tpu.memory_space<vmem>>) offsets(%dma_start3A_130 : memref<32xi32, #tpu.memory_space<vmem>>) semaphore(%arg13 : memref<!tpu.dma_semaphore, #tpu.memory_space<semaphore_mem>>)
    %dma_wait3A_134 = arith.constant 5 : i32
    %dma_wait3A_135 = arith.constant 0 : i32
    %dma_wait3A_136 = tpu.memref_slice %arg5[%dma_wait3A_134, %dma_wait3A_135] : memref<16x32xi32, #tpu.memory_space<vmem>> -> memref<1x32xi32, #tpu.memory_space<vmem>>
    %dma_wait3A_137 = tpu.memref_squeeze %dma_wait3A_136 : memref<1x32xi32, #tpu.memory_space<vmem>> -> memref<32xi32, #tpu.memory_space<vmem>>
    %dma_wait3A_138 = arith.constant 0 : i32
    %dma_wait3A_139 = arith.constant 0 : i32
    %dma_wait3A_140 = tpu.memref_slice %arg2[%dma_wait3A_138, %dma_wait3A_139] : memref<5000x768xf32, #tpu.memory_space<hbm>> -> memref<5000x768xf32, #tpu.memory_space<hbm>>
    tpu.wait_indirect_dma semaphore(%arg11 : memref<!tpu.dma_semaphore, #tpu.memory_space<semaphore_mem>>) src(%dma_wait3A_140 : memref<5000x768xf32, #tpu.memory_space<hbm>>) dst(%arg6 : memref<32x768xf32, #tpu.memory_space<vmem>>)
    %add3A_141 = arith.constant 160 : i32
    %add3A_142 = arith.addi %mul3A_2, %add3A_141 : i32
    %dma_start3A_143 = arith.constant 0 : i32
    %dma_start3A_144 = tpu.memref_slice %arg4[%add3A_142, %dma_start3A_143] : memref<16384x768xf32, #tpu.memory_space<hbm>> -> memref<32x768xf32, #tpu.memory_space<hbm>>
    %dma_start3A_145 = arith.constant 0 : i32
    %dma_start3A_146 = tpu.memref_slice %arg4[%add3A_142, %dma_start3A_145] : memref<16384x768xf32, #tpu.memory_space<hbm>> -> memref<32x768xf32, #tpu.memory_space<hbm>>
    tpu.enqueue_dma source(%arg6 : memref<32x768xf32, #tpu.memory_space<vmem>>) target(%dma_start3A_146 : memref<32x768xf32, #tpu.memory_space<hbm>>) target_semaphore(%arg16 : memref<!tpu.dma_semaphore, #tpu.memory_space<semaphore_mem>>)
    %dma_wait3A_147 = arith.constant 0 : i32
    %dma_wait3A_148 = tpu.memref_slice %arg4[%add3A_94, %dma_wait3A_147] : memref<16384x768xf32, #tpu.memory_space<hbm>> -> memref<32x768xf32, #tpu.memory_space<hbm>>
    %dma_wait3A_149 = arith.constant 0 : i32
    %dma_wait3A_150 = tpu.memref_slice %arg4[%add3A_94, %dma_wait3A_149] : memref<16384x768xf32, #tpu.memory_space<hbm>> -> memref<32x768xf32, #tpu.memory_space<hbm>>
    tpu.wait_dma2 semaphore(%arg19 : memref<!tpu.dma_semaphore, #tpu.memory_space<semaphore_mem>>) src(%arg9 : memref<32x768xf32, #tpu.memory_space<vmem>>) dst(%dma_wait3A_150 : memref<32x768xf32, #tpu.memory_space<hbm>>)
    %dma_start3A_151 = arith.constant 8 : i32
    %dma_start3A_152 = arith.constant 0 : i32
    %dma_start3A_153 = tpu.memref_slice %arg5[%dma_start3A_151, %dma_start3A_152] : memref<16x32xi32, #tpu.memory_space<vmem>> -> memref<1x32xi32, #tpu.memory_space<vmem>>
    %dma_start3A_154 = tpu.memref_squeeze %dma_start3A_153 : memref<1x32xi32, #tpu.memory_space<vmem>> -> memref<32xi32, #tpu.memory_space<vmem>>
    %dma_start3A_155 = arith.constant 0 : i32
    %dma_start3A_156 = arith.constant 0 : i32
    %dma_start3A_157 = tpu.memref_slice %arg2[%dma_start3A_155, %dma_start3A_156] : memref<5000x768xf32, #tpu.memory_space<hbm>> -> memref<5000x768xf32, #tpu.memory_space<hbm>>
    tpu.enqueue_indirect_dma source(%dma_start3A_157 : memref<5000x768xf32, #tpu.memory_space<hbm>>) target(%arg9 : memref<32x768xf32, #tpu.memory_space<vmem>>) offsets(%dma_start3A_154 : memref<32xi32, #tpu.memory_space<vmem>>) semaphore(%arg14 : memref<!tpu.dma_semaphore, #tpu.memory_space<semaphore_mem>>)
    %dma_wait3A_158 = arith.constant 6 : i32
    %dma_wait3A_159 = arith.constant 0 : i32
    %dma_wait3A_160 = tpu.memref_slice %arg5[%dma_wait3A_158, %dma_wait3A_159] : memref<16x32xi32, #tpu.memory_space<vmem>> -> memref<1x32xi32, #tpu.memory_space<vmem>>
    %dma_wait3A_161 = tpu.memref_squeeze %dma_wait3A_160 : memref<1x32xi32, #tpu.memory_space<vmem>> -> memref<32xi32, #tpu.memory_space<vmem>>
    %dma_wait3A_162 = arith.constant 0 : i32
    %dma_wait3A_163 = arith.constant 0 : i32
    %dma_wait3A_164 = tpu.memref_slice %arg2[%dma_wait3A_162, %dma_wait3A_163] : memref<5000x768xf32, #tpu.memory_space<hbm>> -> memref<5000x768xf32, #tpu.memory_space<hbm>>
    tpu.wait_indirect_dma semaphore(%arg12 : memref<!tpu.dma_semaphore, #tpu.memory_space<semaphore_mem>>) src(%dma_wait3A_164 : memref<5000x768xf32, #tpu.memory_space<hbm>>) dst(%arg7 : memref<32x768xf32, #tpu.memory_space<vmem>>)
    %add3A_165 = arith.constant 192 : i32
    %add3A_166 = arith.addi %mul3A_2, %add3A_165 : i32
    %dma_start3A_167 = arith.constant 0 : i32
    %dma_start3A_168 = tpu.memref_slice %arg4[%add3A_166, %dma_start3A_167] : memref<16384x768xf32, #tpu.memory_space<hbm>> -> memref<32x768xf32, #tpu.memory_space<hbm>>
    %dma_start3A_169 = arith.constant 0 : i32
    %dma_start3A_170 = tpu.memref_slice %arg4[%add3A_166, %dma_start3A_169] : memref<16384x768xf32, #tpu.memory_space<hbm>> -> memref<32x768xf32, #tpu.memory_space<hbm>>
    tpu.enqueue_dma source(%arg7 : memref<32x768xf32, #tpu.memory_space<vmem>>) target(%dma_start3A_170 : memref<32x768xf32, #tpu.memory_space<hbm>>) target_semaphore(%arg17 : memref<!tpu.dma_semaphore, #tpu.memory_space<semaphore_mem>>)
    %dma_wait3A_171 = arith.constant 0 : i32
    %dma_wait3A_172 = tpu.memref_slice %arg4[%add3A_118, %dma_wait3A_171] : memref<16384x768xf32, #tpu.memory_space<hbm>> -> memref<32x768xf32, #tpu.memory_space<hbm>>
    %dma_wait3A_173 = arith.constant 0 : i32
    %dma_wait3A_174 = tpu.memref_slice %arg4[%add3A_118, %dma_wait3A_173] : memref<16384x768xf32, #tpu.memory_space<hbm>> -> memref<32x768xf32, #tpu.memory_space<hbm>>
    tpu.wait_dma2 semaphore(%arg20 : memref<!tpu.dma_semaphore, #tpu.memory_space<semaphore_mem>>) src(%arg10 : memref<32x768xf32, #tpu.memory_space<vmem>>) dst(%dma_wait3A_174 : memref<32x768xf32, #tpu.memory_space<hbm>>)
    %dma_start3A_175 = arith.constant 9 : i32
    %dma_start3A_176 = arith.constant 0 : i32
    %dma_start3A_177 = tpu.memref_slice %arg5[%dma_start3A_175, %dma_start3A_176] : memref<16x32xi32, #tpu.memory_space<vmem>> -> memref<1x32xi32, #tpu.memory_space<vmem>>
    %dma_start3A_178 = tpu.memref_squeeze %dma_start3A_177 : memref<1x32xi32, #tpu.memory_space<vmem>> -> memref<32xi32, #tpu.memory_space<vmem>>
    %dma_start3A_179 = arith.constant 0 : i32
    %dma_start3A_180 = arith.constant 0 : i32
    %dma_start3A_181 = tpu.memref_slice %arg2[%dma_start3A_179, %dma_start3A_180] : memref<5000x768xf32, #tpu.memory_space<hbm>> -> memref<5000x768xf32, #tpu.memory_space<hbm>>
    tpu.enqueue_indirect_dma source(%dma_start3A_181 : memref<5000x768xf32, #tpu.memory_space<hbm>>) target(%arg10 : memref<32x768xf32, #tpu.memory_space<vmem>>) offsets(%dma_start3A_178 : memref<32xi32, #tpu.memory_space<vmem>>) semaphore(%arg15 : memref<!tpu.dma_semaphore, #tpu.memory_space<semaphore_mem>>)
    %dma_wait3A_182 = arith.constant 7 : i32
    %dma_wait3A_183 = arith.constant 0 : i32
    %dma_wait3A_184 = tpu.memref_slice %arg5[%dma_wait3A_182, %dma_wait3A_183] : memref<16x32xi32, #tpu.memory_space<vmem>> -> memref<1x32xi32, #tpu.memory_space<vmem>>
    %dma_wait3A_185 = tpu.memref_squeeze %dma_wait3A_184 : memref<1x32xi32, #tpu.memory_space<vmem>> -> memref<32xi32, #tpu.memory_space<vmem>>
    %dma_wait3A_186 = arith.constant 0 : i32
    %dma_wait3A_187 = arith.constant 0 : i32
    %dma_wait3A_188 = tpu.memref_slice %arg2[%dma_wait3A_186, %dma_wait3A_187] : memref<5000x768xf32, #tpu.memory_space<hbm>> -> memref<5000x768xf32, #tpu.memory_space<hbm>>
    tpu.wait_indirect_dma semaphore(%arg13 : memref<!tpu.dma_semaphore, #tpu.memory_space<semaphore_mem>>) src(%dma_wait3A_188 : memref<5000x768xf32, #tpu.memory_space<hbm>>) dst(%arg8 : memref<32x768xf32, #tpu.memory_space<vmem>>)
    %add3A_189 = arith.constant 224 : i32
    %add3A_190 = arith.addi %mul3A_2, %add3A_189 : i32
    %dma_start3A_191 = arith.constant 0 : i32
    %dma_start3A_192 = tpu.memref_slice %arg4[%add3A_190, %dma_start3A_191] : memref<16384x768xf32, #tpu.memory_space<hbm>> -> memref<32x768xf32, #tpu.memory_space<hbm>>
    %dma_start3A_193 = arith.constant 0 : i32
    %dma_start3A_194 = tpu.memref_slice %arg4[%add3A_190, %dma_start3A_193] : memref<16384x768xf32, #tpu.memory_space<hbm>> -> memref<32x768xf32, #tpu.memory_space<hbm>>
    tpu.enqueue_dma source(%arg8 : memref<32x768xf32, #tpu.memory_space<vmem>>) target(%dma_start3A_194 : memref<32x768xf32, #tpu.memory_space<hbm>>) target_semaphore(%arg18 : memref<!tpu.dma_semaphore, #tpu.memory_space<semaphore_mem>>)
    %dma_wait3A_195 = arith.constant 0 : i32
    %dma_wait3A_196 = tpu.memref_slice %arg4[%add3A_142, %dma_wait3A_195] : memref<16384x768xf32, #tpu.memory_space<hbm>> -> memref<32x768xf32, #tpu.memory_space<hbm>>
    %dma_wait3A_197 = arith.constant 0 : i32
    %dma_wait3A_198 = tpu.memref_slice %arg4[%add3A_142, %dma_wait3A_197] : memref<16384x768xf32, #tpu.memory_space<hbm>> -> memref<32x768xf32, #tpu.memory_space<hbm>>
    tpu.wait_dma2 semaphore(%arg16 : memref<!tpu.dma_semaphore, #tpu.memory_space<semaphore_mem>>) src(%arg6 : memref<32x768xf32, #tpu.memory_space<vmem>>) dst(%dma_wait3A_198 : memref<32x768xf32, #tpu.memory_space<hbm>>)
    %dma_start3A_199 = arith.constant 10 : i32
    %dma_start3A_200 = arith.constant 0 : i32
    %dma_start3A_201 = tpu.memref_slice %arg5[%dma_start3A_199, %dma_start3A_200] : memref<16x32xi32, #tpu.memory_space<vmem>> -> memref<1x32xi32, #tpu.memory_space<vmem>>
    %dma_start3A_202 = tpu.memref_squeeze %dma_start3A_201 : memref<1x32xi32, #tpu.memory_space<vmem>> -> memref<32xi32, #tpu.memory_space<vmem>>
    %dma_start3A_203 = arith.constant 0 : i32
    %dma_start3A_204 = arith.constant 0 : i32
    %dma_start3A_205 = tpu.memref_slice %arg2[%dma_start3A_203, %dma_start3A_204] : memref<5000x768xf32, #tpu.memory_space<hbm>> -> memref<5000x768xf32, #tpu.memory_space<hbm>>
    tpu.enqueue_indirect_dma source(%dma_start3A_205 : memref<5000x768xf32, #tpu.memory_space<hbm>>) target(%arg6 : memref<32x768xf32, #tpu.memory_space<vmem>>) offsets(%dma_start3A_202 : memref<32xi32, #tpu.memory_space<vmem>>) semaphore(%arg11 : memref<!tpu.dma_semaphore, #tpu.memory_space<semaphore_mem>>)
    %dma_wait3A_206 = arith.constant 8 : i32
    %dma_wait3A_207 = arith.constant 0 : i32
    %dma_wait3A_208 = tpu.memref_slice %arg5[%dma_wait3A_206, %dma_wait3A_207] : memref<16x32xi32, #tpu.memory_space<vmem>> -> memref<1x32xi32, #tpu.memory_space<vmem>>
    %dma_wait3A_209 = tpu.memref_squeeze %dma_wait3A_208 : memref<1x32xi32, #tpu.memory_space<vmem>> -> memref<32xi32, #tpu.memory_space<vmem>>
    %dma_wait3A_210 = arith.constant 0 : i32
    %dma_wait3A_211 = arith.constant 0 : i32
    %dma_wait3A_212 = tpu.memref_slice %arg2[%dma_wait3A_210, %dma_wait3A_211] : memref<5000x768xf32, #tpu.memory_space<hbm>> -> memref<5000x768xf32, #tpu.memory_space<hbm>>
    tpu.wait_indirect_dma semaphore(%arg14 : memref<!tpu.dma_semaphore, #tpu.memory_space<semaphore_mem>>) src(%dma_wait3A_212 : memref<5000x768xf32, #tpu.memory_space<hbm>>) dst(%arg9 : memref<32x768xf32, #tpu.memory_space<vmem>>)
    %add3A_213 = arith.constant 256 : i32
    %add3A_214 = arith.addi %mul3A_2, %add3A_213 : i32
    %dma_start3A_215 = arith.constant 0 : i32
    %dma_start3A_216 = tpu.memref_slice %arg4[%add3A_214, %dma_start3A_215] : memref<16384x768xf32, #tpu.memory_space<hbm>> -> memref<32x768xf32, #tpu.memory_space<hbm>>
    %dma_start3A_217 = arith.constant 0 : i32
    %dma_start3A_218 = tpu.memref_slice %arg4[%add3A_214, %dma_start3A_217] : memref<16384x768xf32, #tpu.memory_space<hbm>> -> memref<32x768xf32, #tpu.memory_space<hbm>>
    tpu.enqueue_dma source(%arg9 : memref<32x768xf32, #tpu.memory_space<vmem>>) target(%dma_start3A_218 : memref<32x768xf32, #tpu.memory_space<hbm>>) target_semaphore(%arg19 : memref<!tpu.dma_semaphore, #tpu.memory_space<semaphore_mem>>)
    %dma_wait3A_219 = arith.constant 0 : i32
    %dma_wait3A_220 = tpu.memref_slice %arg4[%add3A_166, %dma_wait3A_219] : memref<16384x768xf32, #tpu.memory_space<hbm>> -> memref<32x768xf32, #tpu.memory_space<hbm>>
    %dma_wait3A_221 = arith.constant 0 : i32
    %dma_wait3A_222 = tpu.memref_slice %arg4[%add3A_166, %dma_wait3A_221] : memref<16384x768xf32, #tpu.memory_space<hbm>> -> memref<32x768xf32, #tpu.memory_space<hbm>>
    tpu.wait_dma2 semaphore(%arg17 : memref<!tpu.dma_semaphore, #tpu.memory_space<semaphore_mem>>) src(%arg7 : memref<32x768xf32, #tpu.memory_space<vmem>>) dst(%dma_wait3A_222 : memref<32x768xf32, #tpu.memory_space<hbm>>)
    %dma_start3A_223 = arith.constant 11 : i32
    %dma_start3A_224 = arith.constant 0 : i32
    %dma_start3A_225 = tpu.memref_slice %arg5[%dma_start3A_223, %dma_start3A_224] : memref<16x32xi32, #tpu.memory_space<vmem>> -> memref<1x32xi32, #tpu.memory_space<vmem>>
    %dma_start3A_226 = tpu.memref_squeeze %dma_start3A_225 : memref<1x32xi32, #tpu.memory_space<vmem>> -> memref<32xi32, #tpu.memory_space<vmem>>
    %dma_start3A_227 = arith.constant 0 : i32
    %dma_start3A_228 = arith.constant 0 : i32
    %dma_start3A_229 = tpu.memref_slice %arg2[%dma_start3A_227, %dma_start3A_228] : memref<5000x768xf32, #tpu.memory_space<hbm>> -> memref<5000x768xf32, #tpu.memory_space<hbm>>
    tpu.enqueue_indirect_dma source(%dma_start3A_229 : memref<5000x768xf32, #tpu.memory_space<hbm>>) target(%arg7 : memref<32x768xf32, #tpu.memory_space<vmem>>) offsets(%dma_start3A_226 : memref<32xi32, #tpu.memory_space<vmem>>) semaphore(%arg12 : memref<!tpu.dma_semaphore, #tpu.memory_space<semaphore_mem>>)
    %dma_wait3A_230 = arith.constant 9 : i32
    %dma_wait3A_231 = arith.constant 0 : i32
    %dma_wait3A_232 = tpu.memref_slice %arg5[%dma_wait3A_230, %dma_wait3A_231] : memref<16x32xi32, #tpu.memory_space<vmem>> -> memref<1x32xi32, #tpu.memory_space<vmem>>
    %dma_wait3A_233 = tpu.memref_squeeze %dma_wait3A_232 : memref<1x32xi32, #tpu.memory_space<vmem>> -> memref<32xi32, #tpu.memory_space<vmem>>
    %dma_wait3A_234 = arith.constant 0 : i32
    %dma_wait3A_235 = arith.constant 0 : i32
    %dma_wait3A_236 = tpu.memref_slice %arg2[%dma_wait3A_234, %dma_wait3A_235] : memref<5000x768xf32, #tpu.memory_space<hbm>> -> memref<5000x768xf32, #tpu.memory_space<hbm>>
    tpu.wait_indirect_dma semaphore(%arg15 : memref<!tpu.dma_semaphore, #tpu.memory_space<semaphore_mem>>) src(%dma_wait3A_236 : memref<5000x768xf32, #tpu.memory_space<hbm>>) dst(%arg10 : memref<32x768xf32, #tpu.memory_space<vmem>>)
    %add3A_237 = arith.constant 288 : i32
    %add3A_238 = arith.addi %mul3A_2, %add3A_237 : i32
    %dma_start3A_239 = arith.constant 0 : i32
    %dma_start3A_240 = tpu.memref_slice %arg4[%add3A_238, %dma_start3A_239] : memref<16384x768xf32, #tpu.memory_space<hbm>> -> memref<32x768xf32, #tpu.memory_space<hbm>>
    %dma_start3A_241 = arith.constant 0 : i32
    %dma_start3A_242 = tpu.memref_slice %arg4[%add3A_238, %dma_start3A_241] : memref<16384x768xf32, #tpu.memory_space<hbm>> -> memref<32x768xf32, #tpu.memory_space<hbm>>
    tpu.enqueue_dma source(%arg10 : memref<32x768xf32, #tpu.memory_space<vmem>>) target(%dma_start3A_242 : memref<32x768xf32, #tpu.memory_space<hbm>>) target_semaphore(%arg20 : memref<!tpu.dma_semaphore, #tpu.memory_space<semaphore_mem>>)
    %dma_wait3A_243 = arith.constant 0 : i32
    %dma_wait3A_244 = tpu.memref_slice %arg4[%add3A_190, %dma_wait3A_243] : memref<16384x768xf32, #tpu.memory_space<hbm>> -> memref<32x768xf32, #tpu.memory_space<hbm>>
    %dma_wait3A_245 = arith.constant 0 : i32
    %dma_wait3A_246 = tpu.memref_slice %arg4[%add3A_190, %dma_wait3A_245] : memref<16384x768xf32, #tpu.memory_space<hbm>> -> memref<32x768xf32, #tpu.memory_space<hbm>>
    tpu.wait_dma2 semaphore(%arg18 : memref<!tpu.dma_semaphore, #tpu.memory_space<semaphore_mem>>) src(%arg8 : memref<32x768xf32, #tpu.memory_space<vmem>>) dst(%dma_wait3A_246 : memref<32x768xf32, #tpu.memory_space<hbm>>)
    %dma_start3A_247 = arith.constant 12 : i32
    %dma_start3A_248 = arith.constant 0 : i32
    %dma_start3A_249 = tpu.memref_slice %arg5[%dma_start3A_247, %dma_start3A_248] : memref<16x32xi32, #tpu.memory_space<vmem>> -> memref<1x32xi32, #tpu.memory_space<vmem>>
    %dma_start3A_250 = tpu.memref_squeeze %dma_start3A_249 : memref<1x32xi32, #tpu.memory_space<vmem>> -> memref<32xi32, #tpu.memory_space<vmem>>
    %dma_start3A_251 = arith.constant 0 : i32
    %dma_start3A_252 = arith.constant 0 : i32
    %dma_start3A_253 = tpu.memref_slice %arg2[%dma_start3A_251, %dma_start3A_252] : memref<5000x768xf32, #tpu.memory_space<hbm>> -> memref<5000x768xf32, #tpu.memory_space<hbm>>
    tpu.enqueue_indirect_dma source(%dma_start3A_253 : memref<5000x768xf32, #tpu.memory_space<hbm>>) target(%arg8 : memref<32x768xf32, #tpu.memory_space<vmem>>) offsets(%dma_start3A_250 : memref<32xi32, #tpu.memory_space<vmem>>) semaphore(%arg13 : memref<!tpu.dma_semaphore, #tpu.memory_space<semaphore_mem>>)
    %dma_wait3A_254 = arith.constant 10 : i32
    %dma_wait3A_255 = arith.constant 0 : i32
    %dma_wait3A_256 = tpu.memref_slice %arg5[%dma_wait3A_254, %dma_wait3A_255] : memref<16x32xi32, #tpu.memory_space<vmem>> -> memref<1x32xi32, #tpu.memory_space<vmem>>
    %dma_wait3A_257 = tpu.memref_squeeze %dma_wait3A_256 : memref<1x32xi32, #tpu.memory_space<vmem>> -> memref<32xi32, #tpu.memory_space<vmem>>
    %dma_wait3A_258 = arith.constant 0 : i32
    %dma_wait3A_259 = arith.constant 0 : i32
    %dma_wait3A_260 = tpu.memref_slice %arg2[%dma_wait3A_258, %dma_wait3A_259] : memref<5000x768xf32, #tpu.memory_space<hbm>> -> memref<5000x768xf32, #tpu.memory_space<hbm>>
    tpu.wait_indirect_dma semaphore(%arg11 : memref<!tpu.dma_semaphore, #tpu.memory_space<semaphore_mem>>) src(%dma_wait3A_260 : memref<5000x768xf32, #tpu.memory_space<hbm>>) dst(%arg6 : memref<32x768xf32, #tpu.memory_space<vmem>>)
    %add3A_261 = arith.constant 320 : i32
    %add3A_262 = arith.addi %mul3A_2, %add3A_261 : i32
    %dma_start3A_263 = arith.constant 0 : i32
    %dma_start3A_264 = tpu.memref_slice %arg4[%add3A_262, %dma_start3A_263] : memref<16384x768xf32, #tpu.memory_space<hbm>> -> memref<32x768xf32, #tpu.memory_space<hbm>>
    %dma_start3A_265 = arith.constant 0 : i32
    %dma_start3A_266 = tpu.memref_slice %arg4[%add3A_262, %dma_start3A_265] : memref<16384x768xf32, #tpu.memory_space<hbm>> -> memref<32x768xf32, #tpu.memory_space<hbm>>
    tpu.enqueue_dma source(%arg6 : memref<32x768xf32, #tpu.memory_space<vmem>>) target(%dma_start3A_266 : memref<32x768xf32, #tpu.memory_space<hbm>>) target_semaphore(%arg16 : memref<!tpu.dma_semaphore, #tpu.memory_space<semaphore_mem>>)
    %dma_wait3A_267 = arith.constant 0 : i32
    %dma_wait3A_268 = tpu.memref_slice %arg4[%add3A_214, %dma_wait3A_267] : memref<16384x768xf32, #tpu.memory_space<hbm>> -> memref<32x768xf32, #tpu.memory_space<hbm>>
    %dma_wait3A_269 = arith.constant 0 : i32
    %dma_wait3A_270 = tpu.memref_slice %arg4[%add3A_214, %dma_wait3A_269] : memref<16384x768xf32, #tpu.memory_space<hbm>> -> memref<32x768xf32, #tpu.memory_space<hbm>>
    tpu.wait_dma2 semaphore(%arg19 : memref<!tpu.dma_semaphore, #tpu.memory_space<semaphore_mem>>) src(%arg9 : memref<32x768xf32, #tpu.memory_space<vmem>>) dst(%dma_wait3A_270 : memref<32x768xf32, #tpu.memory_space<hbm>>)
    %dma_start3A_271 = arith.constant 13 : i32
    %dma_start3A_272 = arith.constant 0 : i32
    %dma_start3A_273 = tpu.memref_slice %arg5[%dma_start3A_271, %dma_start3A_272] : memref<16x32xi32, #tpu.memory_space<vmem>> -> memref<1x32xi32, #tpu.memory_space<vmem>>
    %dma_start3A_274 = tpu.memref_squeeze %dma_start3A_273 : memref<1x32xi32, #tpu.memory_space<vmem>> -> memref<32xi32, #tpu.memory_space<vmem>>
    %dma_start3A_275 = arith.constant 0 : i32
    %dma_start3A_276 = arith.constant 0 : i32
    %dma_start3A_277 = tpu.memref_slice %arg2[%dma_start3A_275, %dma_start3A_276] : memref<5000x768xf32, #tpu.memory_space<hbm>> -> memref<5000x768xf32, #tpu.memory_space<hbm>>
    tpu.enqueue_indirect_dma source(%dma_start3A_277 : memref<5000x768xf32, #tpu.memory_space<hbm>>) target(%arg9 : memref<32x768xf32, #tpu.memory_space<vmem>>) offsets(%dma_start3A_274 : memref<32xi32, #tpu.memory_space<vmem>>) semaphore(%arg14 : memref<!tpu.dma_semaphore, #tpu.memory_space<semaphore_mem>>)
    %dma_wait3A_278 = arith.constant 11 : i32
    %dma_wait3A_279 = arith.constant 0 : i32
    %dma_wait3A_280 = tpu.memref_slice %arg5[%dma_wait3A_278, %dma_wait3A_279] : memref<16x32xi32, #tpu.memory_space<vmem>> -> memref<1x32xi32, #tpu.memory_space<vmem>>
    %dma_wait3A_281 = tpu.memref_squeeze %dma_wait3A_280 : memref<1x32xi32, #tpu.memory_space<vmem>> -> memref<32xi32, #tpu.memory_space<vmem>>
    %dma_wait3A_282 = arith.constant 0 : i32
    %dma_wait3A_283 = arith.constant 0 : i32
    %dma_wait3A_284 = tpu.memref_slice %arg2[%dma_wait3A_282, %dma_wait3A_283] : memref<5000x768xf32, #tpu.memory_space<hbm>> -> memref<5000x768xf32, #tpu.memory_space<hbm>>
    tpu.wait_indirect_dma semaphore(%arg12 : memref<!tpu.dma_semaphore, #tpu.memory_space<semaphore_mem>>) src(%dma_wait3A_284 : memref<5000x768xf32, #tpu.memory_space<hbm>>) dst(%arg7 : memref<32x768xf32, #tpu.memory_space<vmem>>)
    %add3A_285 = arith.constant 352 : i32
    %add3A_286 = arith.addi %mul3A_2, %add3A_285 : i32
    %dma_start3A_287 = arith.constant 0 : i32
    %dma_start3A_288 = tpu.memref_slice %arg4[%add3A_286, %dma_start3A_287] : memref<16384x768xf32, #tpu.memory_space<hbm>> -> memref<32x768xf32, #tpu.memory_space<hbm>>
    %dma_start3A_289 = arith.constant 0 : i32
    %dma_start3A_290 = tpu.memref_slice %arg4[%add3A_286, %dma_start3A_289] : memref<16384x768xf32, #tpu.memory_space<hbm>> -> memref<32x768xf32, #tpu.memory_space<hbm>>
    tpu.enqueue_dma source(%arg7 : memref<32x768xf32, #tpu.memory_space<vmem>>) target(%dma_start3A_290 : memref<32x768xf32, #tpu.memory_space<hbm>>) target_semaphore(%arg17 : memref<!tpu.dma_semaphore, #tpu.memory_space<semaphore_mem>>)
    %dma_wait3A_291 = arith.constant 0 : i32
    %dma_wait3A_292 = tpu.memref_slice %arg4[%add3A_238, %dma_wait3A_291] : memref<16384x768xf32, #tpu.memory_space<hbm>> -> memref<32x768xf32, #tpu.memory_space<hbm>>
    %dma_wait3A_293 = arith.constant 0 : i32
    %dma_wait3A_294 = tpu.memref_slice %arg4[%add3A_238, %dma_wait3A_293] : memref<16384x768xf32, #tpu.memory_space<hbm>> -> memref<32x768xf32, #tpu.memory_space<hbm>>
    tpu.wait_dma2 semaphore(%arg20 : memref<!tpu.dma_semaphore, #tpu.memory_space<semaphore_mem>>) src(%arg10 : memref<32x768xf32, #tpu.memory_space<vmem>>) dst(%dma_wait3A_294 : memref<32x768xf32, #tpu.memory_space<hbm>>)
    %dma_start3A_295 = arith.constant 14 : i32
    %dma_start3A_296 = arith.constant 0 : i32
    %dma_start3A_297 = tpu.memref_slice %arg5[%dma_start3A_295, %dma_start3A_296] : memref<16x32xi32, #tpu.memory_space<vmem>> -> memref<1x32xi32, #tpu.memory_space<vmem>>
    %dma_start3A_298 = tpu.memref_squeeze %dma_start3A_297 : memref<1x32xi32, #tpu.memory_space<vmem>> -> memref<32xi32, #tpu.memory_space<vmem>>
    %dma_start3A_299 = arith.constant 0 : i32
    %dma_start3A_300 = arith.constant 0 : i32
    %dma_start3A_301 = tpu.memref_slice %arg2[%dma_start3A_299, %dma_start3A_300] : memref<5000x768xf32, #tpu.memory_space<hbm>> -> memref<5000x768xf32, #tpu.memory_space<hbm>>
    tpu.enqueue_indirect_dma source(%dma_start3A_301 : memref<5000x768xf32, #tpu.memory_space<hbm>>) target(%arg10 : memref<32x768xf32, #tpu.memory_space<vmem>>) offsets(%dma_start3A_298 : memref<32xi32, #tpu.memory_space<vmem>>) semaphore(%arg15 : memref<!tpu.dma_semaphore, #tpu.memory_space<semaphore_mem>>)
    %dma_wait3A_302 = arith.constant 12 : i32
    %dma_wait3A_303 = arith.constant 0 : i32
    %dma_wait3A_304 = tpu.memref_slice %arg5[%dma_wait3A_302, %dma_wait3A_303] : memref<16x32xi32, #tpu.memory_space<vmem>> -> memref<1x32xi32, #tpu.memory_space<vmem>>
    %dma_wait3A_305 = tpu.memref_squeeze %dma_wait3A_304 : memref<1x32xi32, #tpu.memory_space<vmem>> -> memref<32xi32, #tpu.memory_space<vmem>>
    %dma_wait3A_306 = arith.constant 0 : i32
    %dma_wait3A_307 = arith.constant 0 : i32
    %dma_wait3A_308 = tpu.memref_slice %arg2[%dma_wait3A_306, %dma_wait3A_307] : memref<5000x768xf32, #tpu.memory_space<hbm>> -> memref<5000x768xf32, #tpu.memory_space<hbm>>
    tpu.wait_indirect_dma semaphore(%arg13 : memref<!tpu.dma_semaphore, #tpu.memory_space<semaphore_mem>>) src(%dma_wait3A_308 : memref<5000x768xf32, #tpu.memory_space<hbm>>) dst(%arg8 : memref<32x768xf32, #tpu.memory_space<vmem>>)
    %add3A_309 = arith.constant 384 : i32
    %add3A_310 = arith.addi %mul3A_2, %add3A_309 : i32
    %dma_start3A_311 = arith.constant 0 : i32
    %dma_start3A_312 = tpu.memref_slice %arg4[%add3A_310, %dma_start3A_311] : memref<16384x768xf32, #tpu.memory_space<hbm>> -> memref<32x768xf32, #tpu.memory_space<hbm>>
    %dma_start3A_313 = arith.constant 0 : i32
    %dma_start3A_314 = tpu.memref_slice %arg4[%add3A_310, %dma_start3A_313] : memref<16384x768xf32, #tpu.memory_space<hbm>> -> memref<32x768xf32, #tpu.memory_space<hbm>>
    tpu.enqueue_dma source(%arg8 : memref<32x768xf32, #tpu.memory_space<vmem>>) target(%dma_start3A_314 : memref<32x768xf32, #tpu.memory_space<hbm>>) target_semaphore(%arg18 : memref<!tpu.dma_semaphore, #tpu.memory_space<semaphore_mem>>)
    %dma_wait3A_315 = arith.constant 0 : i32
    %dma_wait3A_316 = tpu.memref_slice %arg4[%add3A_262, %dma_wait3A_315] : memref<16384x768xf32, #tpu.memory_space<hbm>> -> memref<32x768xf32, #tpu.memory_space<hbm>>
    %dma_wait3A_317 = arith.constant 0 : i32
    %dma_wait3A_318 = tpu.memref_slice %arg4[%add3A_262, %dma_wait3A_317] : memref<16384x768xf32, #tpu.memory_space<hbm>> -> memref<32x768xf32, #tpu.memory_space<hbm>>
    tpu.wait_dma2 semaphore(%arg16 : memref<!tpu.dma_semaphore, #tpu.memory_space<semaphore_mem>>) src(%arg6 : memref<32x768xf32, #tpu.memory_space<vmem>>) dst(%dma_wait3A_318 : memref<32x768xf32, #tpu.memory_space<hbm>>)
    %dma_start3A_319 = arith.constant 15 : i32
    %dma_start3A_320 = arith.constant 0 : i32
    %dma_start3A_321 = tpu.memref_slice %arg5[%dma_start3A_319, %dma_start3A_320] : memref<16x32xi32, #tpu.memory_space<vmem>> -> memref<1x32xi32, #tpu.memory_space<vmem>>
    %dma_start3A_322 = tpu.memref_squeeze %dma_start3A_321 : memref<1x32xi32, #tpu.memory_space<vmem>> -> memref<32xi32, #tpu.memory_space<vmem>>
    %dma_start3A_323 = arith.constant 0 : i32
    %dma_start3A_324 = arith.constant 0 : i32
    %dma_start3A_325 = tpu.memref_slice %arg2[%dma_start3A_323, %dma_start3A_324] : memref<5000x768xf32, #tpu.memory_space<hbm>> -> memref<5000x768xf32, #tpu.memory_space<hbm>>
    tpu.enqueue_indirect_dma source(%dma_start3A_325 : memref<5000x768xf32, #tpu.memory_space<hbm>>) target(%arg6 : memref<32x768xf32, #tpu.memory_space<vmem>>) offsets(%dma_start3A_322 : memref<32xi32, #tpu.memory_space<vmem>>) semaphore(%arg11 : memref<!tpu.dma_semaphore, #tpu.memory_space<semaphore_mem>>)
    %dma_wait3A_326 = arith.constant 13 : i32
    %dma_wait3A_327 = arith.constant 0 : i32
    %dma_wait3A_328 = tpu.memref_slice %arg5[%dma_wait3A_326, %dma_wait3A_327] : memref<16x32xi32, #tpu.memory_space<vmem>> -> memref<1x32xi32, #tpu.memory_space<vmem>>
    %dma_wait3A_329 = tpu.memref_squeeze %dma_wait3A_328 : memref<1x32xi32, #tpu.memory_space<vmem>> -> memref<32xi32, #tpu.memory_space<vmem>>
    %dma_wait3A_330 = arith.constant 0 : i32
    %dma_wait3A_331 = arith.constant 0 : i32
    %dma_wait3A_332 = tpu.memref_slice %arg2[%dma_wait3A_330, %dma_wait3A_331] : memref<5000x768xf32, #tpu.memory_space<hbm>> -> memref<5000x768xf32, #tpu.memory_space<hbm>>
    tpu.wait_indirect_dma semaphore(%arg14 : memref<!tpu.dma_semaphore, #tpu.memory_space<semaphore_mem>>) src(%dma_wait3A_332 : memref<5000x768xf32, #tpu.memory_space<hbm>>) dst(%arg9 : memref<32x768xf32, #tpu.memory_space<vmem>>)
    %add3A_333 = arith.constant 416 : i32
    %add3A_334 = arith.addi %mul3A_2, %add3A_333 : i32
    %dma_start3A_335 = arith.constant 0 : i32
    %dma_start3A_336 = tpu.memref_slice %arg4[%add3A_334, %dma_start3A_335] : memref<16384x768xf32, #tpu.memory_space<hbm>> -> memref<32x768xf32, #tpu.memory_space<hbm>>
    %dma_start3A_337 = arith.constant 0 : i32
    %dma_start3A_338 = tpu.memref_slice %arg4[%add3A_334, %dma_start3A_337] : memref<16384x768xf32, #tpu.memory_space<hbm>> -> memref<32x768xf32, #tpu.memory_space<hbm>>
    tpu.enqueue_dma source(%arg9 : memref<32x768xf32, #tpu.memory_space<vmem>>) target(%dma_start3A_338 : memref<32x768xf32, #tpu.memory_space<hbm>>) target_semaphore(%arg19 : memref<!tpu.dma_semaphore, #tpu.memory_space<semaphore_mem>>)
    %dma_wait3A_339 = arith.constant 14 : i32
    %dma_wait3A_340 = arith.constant 0 : i32
    %dma_wait3A_341 = tpu.memref_slice %arg5[%dma_wait3A_339, %dma_wait3A_340] : memref<16x32xi32, #tpu.memory_space<vmem>> -> memref<1x32xi32, #tpu.memory_space<vmem>>
    %dma_wait3A_342 = tpu.memref_squeeze %dma_wait3A_341 : memref<1x32xi32, #tpu.memory_space<vmem>> -> memref<32xi32, #tpu.memory_space<vmem>>
    %dma_wait3A_343 = arith.constant 0 : i32
    %dma_wait3A_344 = arith.constant 0 : i32
    %dma_wait3A_345 = tpu.memref_slice %arg2[%dma_wait3A_343, %dma_wait3A_344] : memref<5000x768xf32, #tpu.memory_space<hbm>> -> memref<5000x768xf32, #tpu.memory_space<hbm>>
    tpu.wait_indirect_dma semaphore(%arg15 : memref<!tpu.dma_semaphore, #tpu.memory_space<semaphore_mem>>) src(%dma_wait3A_345 : memref<5000x768xf32, #tpu.memory_space<hbm>>) dst(%arg10 : memref<32x768xf32, #tpu.memory_space<vmem>>)
    %add3A_346 = arith.constant 448 : i32
    %add3A_347 = arith.addi %mul3A_2, %add3A_346 : i32
    %dma_start3A_348 = arith.constant 0 : i32
    %dma_start3A_349 = tpu.memref_slice %arg4[%add3A_347, %dma_start3A_348] : memref<16384x768xf32, #tpu.memory_space<hbm>> -> memref<32x768xf32, #tpu.memory_space<hbm>>
    %dma_start3A_350 = arith.constant 0 : i32
    %dma_start3A_351 = tpu.memref_slice %arg4[%add3A_347, %dma_start3A_350] : memref<16384x768xf32, #tpu.memory_space<hbm>> -> memref<32x768xf32, #tpu.memory_space<hbm>>
    tpu.enqueue_dma source(%arg10 : memref<32x768xf32, #tpu.memory_space<vmem>>) target(%dma_start3A_351 : memref<32x768xf32, #tpu.memory_space<hbm>>) target_semaphore(%arg20 : memref<!tpu.dma_semaphore, #tpu.memory_space<semaphore_mem>>)
    %dma_wait3A_352 = arith.constant 15 : i32
    %dma_wait3A_353 = arith.constant 0 : i32
    %dma_wait3A_354 = tpu.memref_slice %arg5[%dma_wait3A_352, %dma_wait3A_353] : memref<16x32xi32, #tpu.memory_space<vmem>> -> memref<1x32xi32, #tpu.memory_space<vmem>>
    %dma_wait3A_355 = tpu.memref_squeeze %dma_wait3A_354 : memref<1x32xi32, #tpu.memory_space<vmem>> -> memref<32xi32, #tpu.memory_space<vmem>>
    %dma_wait3A_356 = arith.constant 0 : i32
    %dma_wait3A_357 = arith.constant 0 : i32
    %dma_wait3A_358 = tpu.memref_slice %arg2[%dma_wait3A_356, %dma_wait3A_357] : memref<5000x768xf32, #tpu.memory_space<hbm>> -> memref<5000x768xf32, #tpu.memory_space<hbm>>
    tpu.wait_indirect_dma semaphore(%arg11 : memref<!tpu.dma_semaphore, #tpu.memory_space<semaphore_mem>>) src(%dma_wait3A_358 : memref<5000x768xf32, #tpu.memory_space<hbm>>) dst(%arg6 : memref<32x768xf32, #tpu.memory_space<vmem>>)
    %add3A_359 = arith.constant 480 : i32
    %add3A_360 = arith.addi %mul3A_2, %add3A_359 : i32
    %dma_start3A_361 = arith.constant 0 : i32
    %dma_start3A_362 = tpu.memref_slice %arg4[%add3A_360, %dma_start3A_361] : memref<16384x768xf32, #tpu.memory_space<hbm>> -> memref<32x768xf32, #tpu.memory_space<hbm>>
    %dma_start3A_363 = arith.constant 0 : i32
    %dma_start3A_364 = tpu.memref_slice %arg4[%add3A_360, %dma_start3A_363] : memref<16384x768xf32, #tpu.memory_space<hbm>> -> memref<32x768xf32, #tpu.memory_space<hbm>>
    tpu.enqueue_dma source(%arg6 : memref<32x768xf32, #tpu.memory_space<vmem>>) target(%dma_start3A_364 : memref<32x768xf32, #tpu.memory_space<hbm>>) target_semaphore(%arg16 : memref<!tpu.dma_semaphore, #tpu.memory_space<semaphore_mem>>)
    %dma_wait3A_365 = arith.constant 0 : i32
    %dma_wait3A_366 = tpu.memref_slice %arg4[%add3A_286, %dma_wait3A_365] : memref<16384x768xf32, #tpu.memory_space<hbm>> -> memref<32x768xf32, #tpu.memory_space<hbm>>
    %dma_wait3A_367 = arith.constant 0 : i32
    %dma_wait3A_368 = tpu.memref_slice %arg4[%add3A_286, %dma_wait3A_367] : memref<16384x768xf32, #tpu.memory_space<hbm>> -> memref<32x768xf32, #tpu.memory_space<hbm>>
    tpu.wait_dma2 semaphore(%arg17 : memref<!tpu.dma_semaphore, #tpu.memory_space<semaphore_mem>>) src(%arg7 : memref<32x768xf32, #tpu.memory_space<vmem>>) dst(%dma_wait3A_368 : memref<32x768xf32, #tpu.memory_space<hbm>>)
    %dma_wait3A_369 = arith.constant 0 : i32
    %dma_wait3A_370 = tpu.memref_slice %arg4[%add3A_310, %dma_wait3A_369] : memref<16384x768xf32, #tpu.memory_space<hbm>> -> memref<32x768xf32, #tpu.memory_space<hbm>>
    %dma_wait3A_371 = arith.constant 0 : i32
    %dma_wait3A_372 = tpu.memref_slice %arg4[%add3A_310, %dma_wait3A_371] : memref<16384x768xf32, #tpu.memory_space<hbm>> -> memref<32x768xf32, #tpu.memory_space<hbm>>
    tpu.wait_dma2 semaphore(%arg18 : memref<!tpu.dma_semaphore, #tpu.memory_space<semaphore_mem>>) src(%arg8 : memref<32x768xf32, #tpu.memory_space<vmem>>) dst(%dma_wait3A_372 : memref<32x768xf32, #tpu.memory_space<hbm>>)
    %dma_wait3A_373 = arith.constant 0 : i32
    %dma_wait3A_374 = tpu.memref_slice %arg4[%add3A_334, %dma_wait3A_373] : memref<16384x768xf32, #tpu.memory_space<hbm>> -> memref<32x768xf32, #tpu.memory_space<hbm>>
    %dma_wait3A_375 = arith.constant 0 : i32
    %dma_wait3A_376 = tpu.memref_slice %arg4[%add3A_334, %dma_wait3A_375] : memref<16384x768xf32, #tpu.memory_space<hbm>> -> memref<32x768xf32, #tpu.memory_space<hbm>>
    tpu.wait_dma2 semaphore(%arg19 : memref<!tpu.dma_semaphore, #tpu.memory_space<semaphore_mem>>) src(%arg9 : memref<32x768xf32, #tpu.memory_space<vmem>>) dst(%dma_wait3A_376 : memref<32x768xf32, #tpu.memory_space<hbm>>)
    %dma_wait3A_377 = arith.constant 0 : i32
    %dma_wait3A_378 = tpu.memref_slice %arg4[%add3A_347, %dma_wait3A_377] : memref<16384x768xf32, #tpu.memory_space<hbm>> -> memref<32x768xf32, #tpu.memory_space<hbm>>
    %dma_wait3A_379 = arith.constant 0 : i32
    %dma_wait3A_380 = tpu.memref_slice %arg4[%add3A_347, %dma_wait3A_379] : memref<16384x768xf32, #tpu.memory_space<hbm>> -> memref<32x768xf32, #tpu.memory_space<hbm>>
    tpu.wait_dma2 semaphore(%arg20 : memref<!tpu.dma_semaphore, #tpu.memory_space<semaphore_mem>>) src(%arg10 : memref<32x768xf32, #tpu.memory_space<vmem>>) dst(%dma_wait3A_380 : memref<32x768xf32, #tpu.memory_space<hbm>>)
    %dma_wait3A_381 = arith.constant 0 : i32
    %dma_wait3A_382 = tpu.memref_slice %arg4[%add3A_360, %dma_wait3A_381] : memref<16384x768xf32, #tpu.memory_space<hbm>> -> memref<32x768xf32, #tpu.memory_space<hbm>>
    %dma_wait3A_383 = arith.constant 0 : i32
    %dma_wait3A_384 = tpu.memref_slice %arg4[%add3A_360, %dma_wait3A_383] : memref<16384x768xf32, #tpu.memory_space<hbm>> -> memref<32x768xf32, #tpu.memory_space<hbm>>
    tpu.wait_dma2 semaphore(%arg16 : memref<!tpu.dma_semaphore, #tpu.memory_space<semaphore_mem>>) src(%arg6 : memref<32x768xf32, #tpu.memory_space<vmem>>) dst(%dma_wait3A_384 : memref<32x768xf32, #tpu.memory_space<hbm>>)
    return
  }
}

</mosaic_0001>

<sc_bundles>
// kernel: kernel.3.cloned.1.call-start
scs
__scs_entry_jumppad:
0x0: {  	(pc) =	sbr.rel $0x88, $3  }
0x1: {  	(tag) =	ssettag $0x0;
	lr =	simm.s32 $0x1  }
0x2: {  	[smem:$0x3F9F] =	sst lr;
	_ =	strace $0xD0000000  }
0x3: {  	_ = 	snop  }
0x4: {  	_ = 	snop  }
0x5: {  	_ = 	snop  }
0x6: {  	_ = 	snop  }
0x7: {  	_ = 	snop  }
__scs_overlays_trampoline_lowered:
0x8: {  	[smem:$0x3FAE] =	sst s0  }
0x9: {  	[smem:$0x3FAF] =	sst s1  }
0xa: {  	[smem:$0x3FB0] =	sst s2  }
0xb: {  	[smem:$0x3FB1] =	sst s3  }
0xc: {  	[smem:$0x3FB2] =	sst s4  }
0xd: {  	[smem:$0x3FB3] =	sst s5  }
0xe: {  	[smem:$0x3FB4] =	sst s6  }
0xf: {  	[smem:$0x3FB5] =	sst s7  }
0x10: {  	[smem:$0x3FB6] =	sst s8  }
0x11: {  	[smem:$0x3FB7] =	sst s9;
	s0 =	simm.s32 @!p0 $0x0  }
0x12: {  	s1 =	sld [smem:$0x3F9D];
	s0 =	simm.s32 @p0 $0x1  }
0x13: {  	[smem:$0x3FB8] =	sst s0;
	s0 =	simm.s32 @!p1 $0x0  }
0x14: {  	s2 =	sld [smem:$0x3F9C];
	s0 =	simm.s32 @p1 $0x1  }
0x15: {  	[smem:$0x3FB9] =	sst s0;
	s0 =	simm.s32 @!p2 $0x0  }
0x16: {  	s3 =	sld [smem:$0x3FDB];
	s0 =	simm.s32 @p2 $0x1  }
0x17: {  	s4 =	simm.s32 $0x1BF5;
	[smem:$0x3FBB] =	sst s0  }
0x18: {  	s0 =	sld [smem:$0x3F9E];
	_ =	swait.ge [sflag:s4], $0x0  }
0x19: {  	s7 =	sld [smem:$0x3F9F]  }
0x1a: {  	s8 =	sadd.s32 $0xFFFFE003, lr  }
0x1b: {  	s9 =	sadd.s32 $0xFFFFFEF7, lr;
	s5 =	simm.s32 $0xFFFFFFFF;
	p2 =	slt.u32 s8, $0xFFFFF086  }
0x1c: {  	p1 =	slt.u32 s9, $0xF7A;
	s5 =	simm.s32 @!p2 $0x0  }
0x1d: {  	s5 =	simm.s32 @p1 $0x1;
	p0 =	seq.s32 s7, s2  }
0x1e: {  	s7 =	smul.u32 @!p0 $0xF7A, s2;
	p2 =	seq.s32 @!p0 s5, $0x0  }
0x1f: {  	s9 =	smul.u32 $0xF7A, s1;
	s8 =	simm.s32 @!p0 $0x1BF5;
	p2 =	por !p2, p0  }
0x20: {  	[sflag:s8] =	ssyncset.s32 @!p0 $0xFFFFF086;
	s6 =	sadd.s32 @!p0 s3, s7;
	s7 =	simm.s32 @!p0 $0x108  }
0x21: {  	s3 =	sadd.s32 s3, s9;
	s6 =	sadd.s32 @!p0 $0x88, s6;
	s7 =	simm.s32 @p2 $0x1082  }
0x22: {  	[simem:s7], [sflag:s8] =	dma.local @!p0 [hbm:s6], $0xF7A  }
0x23: {  	s9 =	sor.u32 $0xD0000000, s2;
	s6 =	simm.s32 $0x108;
	_ =	swait.ge @!p0 [sflag:s8], $0x0  }
0x24: {  	s3 =	sadd.s32 $0x88, s3;
	s6 =	simm.s32 @!p1 $0x1082;
	[sflag:s4] =	ssyncset.s32 $0xFFFFF086  }
0x25: {  	[simem:s6], [sflag:s4] =	dma.local [hbm:s3], $0xF7A  }
0x26: {  	[smem:$0x3F9F] =	sst s1;
	(tag) =	ssettag s2;
	_ =	strace s9  }
0x27: {  	s1 =	sld [smem:$0x3FAF]  }
0x28: {  	s2 =	sld [smem:$0x3FB0]  }
0x29: {  	s4 =	sld [smem:$0x3FB2]  }
0x2a: {  	p0 =	seq.s32 s5, $0x0;
	s5 =	sld [smem:$0x3FB3]  }
0x2b: {  	s6 =	sld [smem:$0x3FB4]  }
0x2c: {  	s7 =	sld [smem:$0x3FB5]  }
0x2d: {  	s3 =	simm.s32 $0x108;
	s8 =	sld [smem:$0x3FB6]  }
0x2e: {  	s3 =	simm.s32 @!p0 $0x1082;
	s9 =	sld [smem:$0x3FB7]  }
0x2f: {  	lr =	sadd.s32 s0, s3;
	s0 =	sld [smem:$0x3FAE]  }
0x30: {  	s3 =	sld [smem:$0x3FB1]  }
0x31: {  	[smem:$0x3FBA] =	sst s10  }
0x32: {  	s10 =	sld [smem:$0x3FB8];
	_ =	sdelay $0x3  }
0x33: {  	p0 =	seq.s32 s10, $0x1;
	s10 =	sld [smem:$0x3FBA];
	_ =	sdelay $0x3  }
0x34: {  	[smem:$0x3FBA] =	sst s10  }
0x35: {  	s10 =	sld [smem:$0x3FB9];
	_ =	sdelay $0x3  }
0x36: {  	p1 =	seq.s32 s10, $0x1;
	s10 =	sld [smem:$0x3FBA];
	_ =	sdelay $0x3  }
0x37: {  	[smem:$0x3FBA] =	sst s10  }
0x38: {  	s10 =	sld [smem:$0x3FBB]  }
0x39: {  	_ = 	snop;
	(pc) =	sbr.ind lr, $3  }
0x3a: {  	_ = 	snop  }
0x3b: {  	_ = 	snop  }
0x3c: {  	p2 =	seq.s32 s10, $0x1;
	s10 =	sld [smem:$0x3FBA]  }
0x3d: {  	_ =	shalt  }
0x3e: {  	_ =	shalt  }
0x3f: {  	_ =	shalt  }
0x40: {  	_ =	shalt  }
0x41: {  	_ =	shalt  }
0x42: {  	_ =	shalt  }
0x43: {  	_ =	shalt  }
0x44: {  	_ =	shalt  }
0x45: {  	_ =	shalt  }
0x46: {  	_ =	shalt  }
0x47: {  	_ =	shalt  }
0x48: {  	_ =	shalt  }
0x49: {  	_ =	shalt  }
0x4a: {  	_ =	shalt  }
0x4b: {  	_ =	shalt  }
0x4c: {  	_ =	shalt  }
0x4d: {  	_ =	shalt  }
0x4e: {  	_ =	shalt  }
0x4f: {  	_ =	shalt  }
0x50: {  	_ =	shalt  }
0x51: {  	_ =	shalt  }
0x52: {  	_ =	shalt  }
0x53: {  	_ =	shalt  }
0x54: {  	_ =	shalt  }
0x55: {  	_ =	shalt  }
0x56: {  	_ =	shalt  }
0x57: {  	_ =	shalt  }
0x58: {  	_ =	shalt  }
0x59: {  	_ =	shalt  }
0x5a: {  	_ =	shalt  }
0x5b: {  	_ =	shalt  }
0x5c: {  	_ =	shalt  }
0x5d: {  	_ =	shalt  }
0x5e: {  	_ =	shalt  }
0x5f: {  	_ =	shalt  }
0x60: {  	_ =	shalt  }
0x61: {  	_ =	shalt  }
0x62: {  	_ =	shalt  }
0x63: {  	_ =	shalt  }
0x64: {  	_ =	shalt  }
0x65: {  	_ =	shalt  }
0x66: {  	_ =	shalt  }
0x67: {  	_ =	shalt  }
0x68: {  	_ =	shalt  }
0x69: {  	_ =	shalt  }
0x6a: {  	_ =	shalt  }
0x6b: {  	_ =	shalt  }
0x6c: {  	_ =	shalt  }
0x6d: {  	_ =	shalt  }
0x6e: {  	_ =	shalt  }
0x6f: {  	_ =	shalt  }
0x70: {  	_ =	shalt  }
0x71: {  	_ =	shalt  }
0x72: {  	_ =	shalt  }
0x73: {  	_ =	shalt  }
0x74: {  	_ =	shalt  }
0x75: {  	_ =	shalt  }
0x76: {  	_ =	shalt  }
0x77: {  	_ =	shalt  }
0x78: {  	_ =	shalt  }
0x79: {  	_ =	shalt  }
0x7a: {  	_ =	shalt  }
0x7b: {  	_ =	shalt  }
0x7c: {  	_ =	shalt  }
0x7d: {  	_ =	shalt  }
0x7e: {  	_ =	shalt  }
0x7f: {  	_ =	shalt  }
0x80: {  	_ =	shalt  }
0x81: {  	_ =	shalt  }
0x82: {  	_ =	shalt  }
0x83: {  	_ =	shalt  }
0x84: {  	_ =	shalt  }
0x85: {  	_ =	shalt  }
0x86: {  	_ =	shalt  }
0x87: {  	_ =	shalt  }
.Lfunc_end0:
.L_simem_size_0:
called_computation_lowered:
.L_overlay_start_0:
0x88: {  	s2 =	sld [smem:$0x3FD9]  }
0x89: {  	s3 =	sld [smem:$0x3FFE];
	_ =	sdelay $0x1  }
0x8a: {  	s1 =	srdreg.scid  }
0x8b: {  	s0 =	sand.u32 $0x1, s1  }
0x8c: {  	s17 =	sshll.u32 s0, $0xA;
	s2 =	sadd.s32 s3, s2  }
0x8d: {  	s2 =	sadd.s32 s2, s17  }
0x8e: {  	[smem:$0x3FC6] =	sst s2  }
0x8f: {  	_ = 	snop  }
0x90: {  	s2 =	sld [smem:$0x3FC9]  }
0x91: {  	s18 =	sld [smem:$0x3FD0];
	(tm) =	ssettm $0x1  }
0x92: {  	s4 =	sld [smem:$0x3FFB];
	_ =	sdelay $0x3  }
0x93: {  	_ =	strace s4  }
0x94: {  	s4 =	sld [smem:$0x3FFC];
	_ =	sdelay $0x3  }
0x95: {  	_ =	strace s4  }
0x96: {  	s4 =	sld [smem:$0x3FFD];
	_ =	sdelay $0x3  }
0x97: {  	_ =	strace s4  }
0x98: {  	_ =	strace $0x8FFFFFFF  }
0x99: {  	s19 =	sld [smem:$0x3FDB];
	_ =	sdelay $0x1  }
0x9a: {  	s5 =	simm.s32 $_scs_section_size  }
0x9b: {  	s6 =	simm.s32 $_size__tile_overlayer_lowered;
	s7 =	simm.s32 $_tile_overlayer_lowered  }
0x9c: {  	s22 =	simm.s32 $0x1BFF;
	s21 =	sshll.u32 s7, $0x1;
	s4 =	sadd.s32 s5, s19  }
0x9d: {  	s8 =	simm.s32 $0x0;
	s20 =	sshll.u32 s6, $0x1;
	s6 =	sadd.s32 s21, s4  }
0x9e: {  	[timem:s8], [sflag:s22] =	dma.local [hbm:s6], s20  }
0x9f: {  	_ =	swait.ge [sflag:s22], s20  }
0xa0: {  	s5 =	ssub.s32 $0x0, s20;
	[sflag:s22] =	ssyncset.done $0x0  }
0xa1: {  	[sflag:s22] =	ssyncadd.s32 s5;
	_ =	sdelay $0x1  }
0xa2: {  	s23 =	simm.s32 $0x1B8B  }
0xa3: {  	_ =	swait.ge [sflag:s23], $0x1  }
0xa4: {  	[sflag:s23] =	ssyncset.done $0x0  }
0xa5: {  	s25 =	simm.s32 $0x1B8E;
	s24 =	sld [smem:$0x3FFE];
	[sflag:s23] =	ssyncadd.s32 $0xFFFFFFFF  }
0xa6: {  	s26 =	simm.s32 $execute0_lowered;
	[smem:$0x3FD2] =	sst s25  }
0xa7: {  	s6 =	sshll.u32 s26, $0x1;
	_ =	strace $0x80000046;
	[dreg:$0x1] =	wrdreg $0xFFFFFFFF  }
0xa8: {  	s28 =	simm.s32 $_size_execute0_lowered;
	s4 =	sadd.s32 s4, s6;
	[dreg:$0x0] =	wrdreg $0x0  }
0xa9: {  	s6 =	sshll.u32 s28, $0x1;
	[dreg:$0x2] =	wrdreg s4  }
0xaa: {  	[dreg:$0x3] =	wrdreg s6  }
0xab: {  	[dreg:$0x4] =	wrdreg $0xC0  }
0xac: {  	_ =	task [dreg:s8], $0x5FFFF  }
0xad: {  	[dreg:$0x1] =	wrdreg $0xFFFFFFFF  }
0xae: {  	[dreg:$0x0] =	wrdreg $0x60  }
0xaf: {  	[dreg:$0x2] =	wrdreg s2  }
0xb0: {  	[dreg:$0x3] =	wrdreg s24  }
0xb1: {  	[dreg:$0x4] =	wrdreg s18  }
0xb2: {  	[dreg:$0x5] =	wrdreg $0x9  }
0xb3: {  	_ =	task.clear_ibuf [dreg:s8], $0x6FFFF;
	_ =	strace $0x90000046  }
0xb4: {  	s29 =	simm.s32 $0x9;
	_ =	strace $0x80000048  }
0xb5: {  	_ =	swait.ge [sflag:s29], $0x1  }
0xb6: {  	[sflag:s29] =	ssyncadd.s32 $0xFFFFFFFF  }
0xb7: {  	_ =	strace $0x90000048  }
0xb8: {  	_ =	sfence  }
0xb9: {  	s30 =	sld [smem:$0x0];
	_ =	sdelay $0x2  }
0xba: {  	s31 =	sshll.u32 s1, $0xD;
	s1 =	sshrl.u32 s1, $0x2  }
0xbb: {  	s3 =	sand.u32 $0x4000, s31;
	s1 =	sadd.s32 s1, s30  }
0xbc: {  	s0 =	sor.u32 s3, s0;
	s1 =	sshll.u32 s1, $0x11  }
0xbd: {  	s0 =	sor.u32 s1, s0  }
0xbe: {  	s0 =	sadd.s32 $0x8F2B, s0  }
0xbf: {  	[sflag:s0] =	ssyncadd.remote.s32 $0x1  }
0xc0: {  	_ =	sfence.sel $0xFFFF  }
0xc1: {  	[dreg:$0x0] =	wrdreg $0xFFFFFFFF;
	(pc) =	sbr.abs _section_cstart, $3  }
0xc2: {  	[dreg:$0x1] =	wrdreg $0xFFFFFFFF  }
0xc3: {  	_ =	task.clear_ibuf [dreg:s8], $0x2FFFF;
	_ =	strace $0x9FFFFFFF  }
0xc4: {  	(tm) =	ssettm $0x7FFFFFFF  }
0xc5: {  	_ =	shalt  }
tec
execute0_lowered:
.L_overlay_start_1:
0x0: {  	(tag) =	ssettag $0x1  }
0x1: {  	s2 =	srdreg.scid;
	s3 =	stileid.u32  }
0x2: {  	s1 =	rddreg [dreg:$0x0];
	s2 =	sand.u32 $0x1, s2;
	s3 =	sshll.u32 s3, $0x1  }
0x3: {  	s0 =	rddreg [dreg:$0x1];
	s5 =	sor.u32 s2, s3  }
0x4: {  	s4 =	rddreg [dreg:$0x2];
	s6 =	sshll.u32 s5, $0x8  }
0x5: {  	s3 =	simm.s32 $0x0;
	s7 =	smul.u32 $0xC000, s5;
	s0 =	sadd.s32 s6, s0  }
0x6: {  	[smem:$0x7FF] =	sst s3;
	s0 =	sadd.s32 $0x400, s0  }
0x7: {  	_ =	strace $0x80000047;
	s10 =	sadd.s32 s4, s7;
	[dreg:$0x4] =	wrdreg s0  }
0x8: {  	s28 =	simm.s32 $0x4;
	s11 =	sadd.s32 $0xC00, s10;
	[dreg:$0x14] =	wrdreg s10  }
0x9: {  	s5 =	smul.u32 $0x60000, s5;
	s12 =	sadd.s32 $0x1800, s10;
	[dreg:$0x5] =	wrdreg s11  }
0xa: {  	s29 =	simm.s32 $0x7;
	s13 =	sadd.s32 $0x2400, s10;
	[dreg:$0x6] =	wrdreg s12  }
0xb: {  	s5 =	sshrl.u32 s5, $0x3;
	s14 =	sadd.s32 $0x3000, s10;
	[dreg:$0x7] =	wrdreg s13  }
0xc: {  	s15 =	sadd.s32 $0x3C00, s10;
	s4 =	sadd.s32 s4, s5;
	[dreg:$0x8] =	wrdreg s14  }
0xd: {  	s30 =	simm.s32 $0x5;
	[dreg:$0x9] =	wrdreg s15;
	s16 =	sadd.s32 $0x4800, s4  }
0xe: {  	s31 =	simm.s32 $0x8;
	s17 =	sadd.s32 $0x5400, s4;
	[dreg:$0xa] =	wrdreg s16  }
0xf: {  	s9 =	simm.s32 $0x18800;
	s18 =	sadd.s32 $0x6000, s4;
	[dreg:$0xb] =	wrdreg s17  }
0x10: {  	s2 =	ssub.s32 $0x2, s2;
	s19 =	sadd.s32 $0x6C00, s4;
	[dreg:$0xc] =	wrdreg s18  }
0x11: {  	s24 =	sshrl.u32 s2, $0x1;
	s20 =	sadd.s32 $0x7800, s4;
	[dreg:$0xd] =	wrdreg s19  }
0x12: {  	s2 =	ssub.s32 s2, s24;
	s21 =	sadd.s32 $0x8400, s4;
	[dreg:$0xe] =	wrdreg s20  }
0x13: {  	s6 =	sadd.s32 $0x200, s1;
	s22 =	sadd.s32 $0x9000, s4;
	[dreg:$0xf] =	wrdreg s21  }
0x14: {  	s24 =	simm.s32 $0x2;
	s23 =	sadd.s32 $0x9C00, s4;
	[dreg:$0x10] =	wrdreg s22  }
0x15: {  	s7 =	smax.u32 s2, $0x1;
	s25 =	sadd.s32 $0xA800, s4;
	[dreg:$0x11] =	wrdreg s23  }
0x16: {  	s2 =	simm.s32 $0x9;
	s26 =	sadd.s32 $0xB400, s4;
	[dreg:$0x12] =	wrdreg s25  }
0x17: {  	v2 =	vlaneseq.u32;
	s5 =	sadd.s32 $0x100, s1;
	[dreg:$0x13] =	wrdreg s26;
	s18 =	simm.s32 $0x800  }
0x18: {  	vm0 =	vmmov $0xffff;
	v1 =	vshrl.u32 v2, $0x3;
	s23 =	simm.s32 $0x1;
	s25 =	simm.s32 $0x3;
	s26 =	simm.s32 $0x6  }
0x19: {  	v0 =	vand.u32 $0x7, v2;
	v2 =	vor.u32 $0x8, v2;
	v1 =	vmul.u32 $0x8, v1;
	s22 =	simm.s32 $0xA;
	s20 =	simm.s32 $0xC000;
	s21 =	simm.s32 $0xC800  }
.LBB2_1:
0x1a: {  	s10 =	rddreg [dreg:$0x4];
	s8 =	simm.s32 $0xB  }
0x1b: {  	[tilespmem:s3], [sflag:$0xB] =	stream.linear.gather [hbm4b:s10+s3], $0x800, $0x38;
	[tilespmem:$0x1E800] =	vst v63  }
0x1c: {  	_ =	swait.ge [sflag:s8], $0x800  }
0x1d: {  	[sflag:s8] =	ssyncset.done $0x0  }
0x1e: {  	[sflag:s8] =	ssyncadd.s32 $0xFFFFF800  }
0x1f: {  	v3 =	vld [tilespmem:$0x0];
	_ =	sdelay $0x4  }
0x20: {  	v4 =	vshrl.u32 v3, $0x3  }
0x21: {  	v4 =	vmul.u32 $0x30, v4  }
0x22: {  	v3 =	vand.u32 $0x7, v3  }
0x23: {  	v3 =	vor.u32 v3, v4  }
0x24: {  	v4 =	vperm.xlane v3, v0;
	_ =	sdelay $0x1  }
0x25: {  	v4 =	vadd.s32 v1, v4;
	_ =	sdelay $0x3  }
0x26: {  	v3 =	vperm.xlane v3, v2  }
0x27: {  	[tilespmem:s18], [sflag:$0x1] =	stream.indirect_vreg.gather [hbm4b:s1+s3], $0x80, v4, vm0, $0xb8;
	[tilespmem:$0x1E800] =	vst v63  }
0x28: {  	s0 =	simm.s32 $0x1000;
	v3 =	vadd.s32 v1, v3  }
0x29: {  	[tilespmem:s0], [sflag:$0x1] =	stream.indirect_vreg.gather [hbm4b:s5+s3], $0x80, v4, vm0, $0xb8;
	[tilespmem:$0x1E800] =	vst v63  }
0x2a: {  	s11 =	simm.s32 $0x1800  }
0x2b: {  	[tilespmem:s11], [sflag:$0x1] =	stream.indirect_vreg.gather [hbm4b:s6+s3], $0x80, v4, vm0, $0xb8;
	[tilespmem:$0x1E800] =	vst v63  }
0x2c: {  	s12 =	simm.s32 $0x2000  }
0x2d: {  	[tilespmem:s12], [sflag:$0x1] =	stream.indirect_vreg.gather [hbm4b:s1+s3], $0x80, v3, vm0, $0xb8;
	[tilespmem:$0x1E800] =	vst v63  }
0x2e: {  	s13 =	simm.s32 $0x2800  }
0x2f: {  	[tilespmem:s13], [sflag:$0x1] =	stream.indirect_vreg.gather [hbm4b:s5+s3], $0x80, v3, vm0, $0xb8;
	[tilespmem:$0x1E800] =	vst v63  }
0x30: {  	s14 =	simm.s32 $0x3000  }
0x31: {  	[tilespmem:s14], [sflag:$0x1] =	stream.indirect_vreg.gather [hbm4b:s6+s3], $0x80, v3, vm0, $0xb8;
	[tilespmem:$0x1E800] =	vst v63  }
0x32: {  	v3 =	vld [tilespmem:$0x10];
	_ =	sdelay $0x4  }
0x33: {  	v33 =	vshrl.u32 v3, $0x3  }
0x34: {  	v4 =	vmul.u32 $0x30, v33  }
0x35: {  	v3 =	vand.u32 $0x7, v3  }
0x36: {  	v3 =	vor.u32 v3, v4  }
0x37: {  	v4 =	vperm.xlane v3, v0;
	_ =	sdelay $0x1  }
0x38: {  	v4 =	vadd.s32 v1, v4;
	_ =	sdelay $0x3  }
0x39: {  	s15 =	simm.s32 $0x3800;
	v3 =	vperm.xlane v3, v2  }
0x3a: {  	[tilespmem:s15], [sflag:$0x1] =	stream.indirect_vreg.gather [hbm4b:s1+s3], $0x80, v4, vm0, $0xb8;
	[tilespmem:$0x1E800] =	vst v63  }
0x3b: {  	s16 =	simm.s32 $0x4000;
	v3 =	vadd.s32 v1, v3  }
0x3c: {  	[tilespmem:s16], [sflag:$0x1] =	stream.indirect_vreg.gather [hbm4b:s5+s3], $0x80, v4, vm0, $0xb8;
	[tilespmem:$0x1E800] =	vst v63  }
0x3d: {  	s17 =	simm.s32 $0x4800  }
0x3e: {  	[tilespmem:s17], [sflag:$0x1] =	stream.indirect_vreg.gather [hbm4b:s6+s3], $0x80, v4, vm0, $0xb8;
	[tilespmem:$0x1E800] =	vst v63  }
0x3f: {  	s19 =	simm.s32 $0x5000  }
0x40: {  	[tilespmem:s19], [sflag:$0x1] =	stream.indirect_vreg.gather [hbm4b:s1+s3], $0x80, v3, vm0, $0xb8;
	[tilespmem:$0x1E800] =	vst v63  }
0x41: {  	s4 =	simm.s32 $0x5800  }
0x42: {  	[tilespmem:s4], [sflag:$0x1] =	stream.indirect_vreg.gather [hbm4b:s5+s3], $0x80, v3, vm0, $0xb8;
	[tilespmem:$0x1E800] =	vst v63  }
0x43: {  	s8 =	simm.s32 $0x6000  }
0x44: {  	[tilespmem:s8], [sflag:$0x1] =	stream.indirect_vreg.gather [hbm4b:s6+s3], $0x80, v3, vm0, $0xb8;
	[tilespmem:$0x1E800] =	vst v63  }
0x45: {  	v3 =	vld [tilespmem:$0x80];
	_ =	sdelay $0x4  }
0x46: {  	v34 =	vshrl.u32 v3, $0x3  }
0x47: {  	v4 =	vmul.u32 $0x30, v34  }
0x48: {  	v3 =	vand.u32 $0x7, v3  }
0x49: {  	v3 =	vor.u32 v3, v4  }
0x4a: {  	v4 =	vperm.xlane v3, v0;
	_ =	sdelay $0x1  }
0x4b: {  	v4 =	vadd.s32 v1, v4;
	_ =	sdelay $0x3  }
0x4c: {  	s4 =	simm.s32 $0x6800;
	v3 =	vperm.xlane v3, v2  }
0x4d: {  	[tilespmem:s4], [sflag:$0x2] =	stream.indirect_vreg.gather [hbm4b:s1+s3], $0x80, v4, vm0, $0xb8;
	[tilespmem:$0x1E800] =	vst v63  }
0x4e: {  	s10 =	simm.s32 $0x7000;
	v3 =	vadd.s32 v1, v3  }
0x4f: {  	[tilespmem:s10], [sflag:$0x2] =	stream.indirect_vreg.gather [hbm4b:s5+s3], $0x80, v4, vm0, $0xb8;
	[tilespmem:$0x1E800] =	vst v63  }
0x50: {  	s11 =	simm.s32 $0x7800  }
0x51: {  	[tilespmem:s11], [sflag:$0x2] =	stream.indirect_vreg.gather [hbm4b:s6+s3], $0x80, v4, vm0, $0xb8;
	[tilespmem:$0x1E800] =	vst v63  }
0x52: {  	s12 =	simm.s32 $0x8000  }
0x53: {  	[tilespmem:s12], [sflag:$0x2] =	stream.indirect_vreg.gather [hbm4b:s1+s3], $0x80, v3, vm0, $0xb8;
	[tilespmem:$0x1E800] =	vst v63  }
0x54: {  	s13 =	simm.s32 $0x8800  }
0x55: {  	[tilespmem:s13], [sflag:$0x2] =	stream.indirect_vreg.gather [hbm4b:s5+s3], $0x80, v3, vm0, $0xb8;
	[tilespmem:$0x1E800] =	vst v63  }
0x56: {  	s16 =	simm.s32 $0x9000  }
0x57: {  	[tilespmem:s16], [sflag:$0x2] =	stream.indirect_vreg.gather [hbm4b:s6+s3], $0x80, v3, vm0, $0xb8;
	[tilespmem:$0x1E800] =	vst v63  }
0x58: {  	v3 =	vld [tilespmem:$0x90];
	_ =	sdelay $0x4  }
0x59: {  	v35 =	vshrl.u32 v3, $0x3  }
0x5a: {  	v4 =	vmul.u32 $0x30, v35  }
0x5b: {  	v3 =	vand.u32 $0x7, v3  }
0x5c: {  	v3 =	vor.u32 v3, v4  }
0x5d: {  	v4 =	vperm.xlane v3, v0;
	_ =	sdelay $0x1  }
0x5e: {  	v4 =	vadd.s32 v1, v4;
	_ =	sdelay $0x3  }
0x5f: {  	s17 =	simm.s32 $0x9800;
	v3 =	vperm.xlane v3, v2  }
0x60: {  	[tilespmem:s17], [sflag:$0x2] =	stream.indirect_vreg.gather [hbm4b:s1+s3], $0x80, v4, vm0, $0xb8;
	[tilespmem:$0x1E800] =	vst v63  }
0x61: {  	s8 =	simm.s32 $0xA000;
	v3 =	vadd.s32 v1, v3  }
0x62: {  	[tilespmem:s8], [sflag:$0x2] =	stream.indirect_vreg.gather [hbm4b:s5+s3], $0x80, v4, vm0, $0xb8;
	[tilespmem:$0x1E800] =	vst v63  }
0x63: {  	s10 =	simm.s32 $0xA800  }
0x64: {  	[tilespmem:s10], [sflag:$0x2] =	stream.indirect_vreg.gather [hbm4b:s6+s3], $0x80, v4, vm0, $0xb8;
	[tilespmem:$0x1E800] =	vst v63  }
0x65: {  	s11 =	simm.s32 $0xB000  }
0x66: {  	[tilespmem:s11], [sflag:$0x2] =	stream.indirect_vreg.gather [hbm4b:s1+s3], $0x80, v3, vm0, $0xb8;
	[tilespmem:$0x1E800] =	vst v63  }
0x67: {  	s12 =	simm.s32 $0xB800  }
0x68: {  	[tilespmem:s12], [sflag:$0x2] =	stream.indirect_vreg.gather [hbm4b:s5+s3], $0x80, v3, vm0, $0xb8;
	[tilespmem:$0x1E800] =	vst v63  }
0x69: {  	_ = 	snop  }
0x6a: {  	[tilespmem:s20], [sflag:$0x2] =	stream.indirect_vreg.gather [hbm4b:s6+s3], $0x80, v3, vm0, $0xb8;
	[tilespmem:$0x1E800] =	vst v63  }
0x6b: {  	v3 =	vld [tilespmem:$0x100];
	_ =	sdelay $0x4  }
0x6c: {  	v36 =	vshrl.u32 v3, $0x3  }
0x6d: {  	v4 =	vmul.u32 $0x30, v36  }
0x6e: {  	v3 =	vand.u32 $0x7, v3  }
0x6f: {  	v3 =	vor.u32 v3, v4  }
0x70: {  	v4 =	vperm.xlane v3, v0;
	_ =	sdelay $0x1  }
0x71: {  	v4 =	vadd.s32 v1, v4;
	_ =	sdelay $0x3  }
0x72: {  	v3 =	vperm.xlane v3, v2  }
0x73: {  	[tilespmem:s21], [sflag:$0x3] =	stream.indirect_vreg.gather [hbm4b:s1+s3], $0x80, v4, vm0, $0xb8;
	[tilespmem:$0x1E800] =	vst v63  }
0x74: {  	s13 =	simm.s32 $0xD000;
	v3 =	vadd.s32 v1, v3  }
0x75: {  	[tilespmem:s13], [sflag:$0x3] =	stream.indirect_vreg.gather [hbm4b:s5+s3], $0x80, v4, vm0, $0xb8;
	[tilespmem:$0x1E800] =	vst v63  }
0x76: {  	s16 =	simm.s32 $0xD800  }
0x77: {  	[tilespmem:s16], [sflag:$0x3] =	stream.indirect_vreg.gather [hbm4b:s6+s3], $0x80, v4, vm0, $0xb8;
	[tilespmem:$0x1E800] =	vst v63  }
0x78: {  	s17 =	simm.s32 $0xE000  }
0x79: {  	[tilespmem:s17], [sflag:$0x3] =	stream.indirect_vreg.gather [hbm4b:s1+s3], $0x80, v3, vm0, $0xb8;
	[tilespmem:$0x1E800] =	vst v63  }
0x7a: {  	s8 =	simm.s32 $0xE800  }
0x7b: {  	[tilespmem:s8], [sflag:$0x3] =	stream.indirect_vreg.gather [hbm4b:s5+s3], $0x80, v3, vm0, $0xb8;
	[tilespmem:$0x1E800] =	vst v63  }
0x7c: {  	s10 =	simm.s32 $0xF000  }
0x7d: {  	[tilespmem:s10], [sflag:$0x3] =	stream.indirect_vreg.gather [hbm4b:s6+s3], $0x80, v3, vm0, $0xb8;
	[tilespmem:$0x1E800] =	vst v63  }
0x7e: {  	v3 =	vld [tilespmem:$0x110];
	_ =	sdelay $0x4  }
0x7f: {  	v37 =	vshrl.u32 v3, $0x3  }
0x80: {  	v4 =	vmul.u32 $0x30, v37  }
0x81: {  	v3 =	vand.u32 $0x7, v3  }
0x82: {  	v3 =	vor.u32 v3, v4  }
0x83: {  	v4 =	vperm.xlane v3, v0;
	_ =	sdelay $0x1  }
0x84: {  	v4 =	vadd.s32 v1, v4;
	_ =	sdelay $0x3  }
0x85: {  	s11 =	simm.s32 $0xF800;
	v3 =	vperm.xlane v3, v2  }
0x86: {  	[tilespmem:s11], [sflag:$0x3] =	stream.indirect_vreg.gather [hbm4b:s1+s3], $0x80, v4, vm0, $0xb8;
	[tilespmem:$0x1E800] =	vst v63  }
0x87: {  	s12 =	simm.s32 $0x10000;
	v3 =	vadd.s32 v1, v3  }
0x88: {  	[tilespmem:s12], [sflag:$0x3] =	stream.indirect_vreg.gather [hbm4b:s5+s3], $0x80, v4, vm0, $0xb8;
	[tilespmem:$0x1E800] =	vst v63  }
0x89: {  	s13 =	simm.s32 $0x10800  }
0x8a: {  	[tilespmem:s13], [sflag:$0x3] =	stream.indirect_vreg.gather [hbm4b:s6+s3], $0x80, v4, vm0, $0xb8;
	[tilespmem:$0x1E800] =	vst v63  }
0x8b: {  	s16 =	simm.s32 $0x11000  }
0x8c: {  	[tilespmem:s16], [sflag:$0x3] =	stream.indirect_vreg.gather [hbm4b:s1+s3], $0x80, v3, vm0, $0xb8;
	[tilespmem:$0x1E800] =	vst v63  }
0x8d: {  	s17 =	simm.s32 $0x11800  }
0x8e: {  	[tilespmem:s17], [sflag:$0x3] =	stream.indirect_vreg.gather [hbm4b:s5+s3], $0x80, v3, vm0, $0xb8;
	[tilespmem:$0x1E800] =	vst v63  }
0x8f: {  	s8 =	simm.s32 $0x12000  }
0x90: {  	[tilespmem:s8], [sflag:$0x3] =	stream.indirect_vreg.gather [hbm4b:s6+s3], $0x80, v3, vm0, $0xb8;
	[tilespmem:$0x1E800] =	vst v63  }
0x91: {  	v3 =	vld [tilespmem:$0x180];
	_ =	sdelay $0x4  }
0x92: {  	v38 =	vshrl.u32 v3, $0x3  }
0x93: {  	v4 =	vmul.u32 $0x30, v38  }
0x94: {  	v3 =	vand.u32 $0x7, v3  }
0x95: {  	v3 =	vor.u32 v3, v4  }
0x96: {  	v4 =	vperm.xlane v3, v0;
	_ =	sdelay $0x1  }
0x97: {  	v4 =	vadd.s32 v1, v4;
	_ =	sdelay $0x3  }
0x98: {  	s0 =	simm.s32 $0x12800;
	v3 =	vperm.xlane v3, v2  }
0x99: {  	[tilespmem:s0], [sflag:$0x4] =	stream.indirect_vreg.gather [hbm4b:s1+s3], $0x80, v4, vm0, $0xb8;
	[tilespmem:$0x1E800] =	vst v63  }
0x9a: {  	s8 =	simm.s32 $0x13000;
	v3 =	vadd.s32 v1, v3  }
0x9b: {  	[tilespmem:s8], [sflag:$0x4] =	stream.indirect_vreg.gather [hbm4b:s5+s3], $0x80, v4, vm0, $0xb8;
	[tilespmem:$0x1E800] =	vst v63  }
0x9c: {  	s10 =	simm.s32 $0x13800  }
0x9d: {  	[tilespmem:s10], [sflag:$0x4] =	stream.indirect_vreg.gather [hbm4b:s6+s3], $0x80, v4, vm0, $0xb8;
	[tilespmem:$0x1E800] =	vst v63  }
0x9e: {  	s11 =	simm.s32 $0x14000  }
0x9f: {  	[tilespmem:s11], [sflag:$0x4] =	stream.indirect_vreg.gather [hbm4b:s1+s3], $0x80, v3, vm0, $0xb8;
	[tilespmem:$0x1E800] =	vst v63  }
0xa0: {  	s12 =	simm.s32 $0x14800  }
0xa1: {  	[tilespmem:s12], [sflag:$0x4] =	stream.indirect_vreg.gather [hbm4b:s5+s3], $0x80, v3, vm0, $0xb8;
	[tilespmem:$0x1E800] =	vst v63  }
0xa2: {  	s13 =	simm.s32 $0x15000  }
0xa3: {  	[tilespmem:s13], [sflag:$0x4] =	stream.indirect_vreg.gather [hbm4b:s6+s3], $0x80, v3, vm0, $0xb8;
	[tilespmem:$0x1E800] =	vst v63  }
0xa4: {  	v3 =	vld [tilespmem:$0x190];
	_ =	sdelay $0x4  }
0xa5: {  	v39 =	vshrl.u32 v3, $0x3  }
0xa6: {  	v4 =	vmul.u32 $0x30, v39  }
0xa7: {  	v3 =	vand.u32 $0x7, v3  }
0xa8: {  	v3 =	vor.u32 v3, v4  }
0xa9: {  	v4 =	vperm.xlane v3, v0;
	_ =	sdelay $0x1  }
0xaa: {  	v4 =	vadd.s32 v1, v4;
	_ =	sdelay $0x3  }
0xab: {  	s16 =	simm.s32 $0x15800;
	v3 =	vperm.xlane v3, v2  }
0xac: {  	[tilespmem:s16], [sflag:$0x4] =	stream.indirect_vreg.gather [hbm4b:s1+s3], $0x80, v4, vm0, $0xb8;
	[tilespmem:$0x1E800] =	vst v63  }
0xad: {  	s17 =	simm.s32 $0x16000;
	v3 =	vadd.s32 v1, v3  }
0xae: {  	[tilespmem:s17], [sflag:$0x4] =	stream.indirect_vreg.gather [hbm4b:s5+s3], $0x80, v4, vm0, $0xb8;
	[tilespmem:$0x1E800] =	vst v63  }
0xaf: {  	s10 =	simm.s32 $0x16800  }
0xb0: {  	[tilespmem:s10], [sflag:$0x4] =	stream.indirect_vreg.gather [hbm4b:s6+s3], $0x80, v4, vm0, $0xb8;
	[tilespmem:$0x1E800] =	vst v63  }
0xb1: {  	s11 =	simm.s32 $0x17000  }
0xb2: {  	[tilespmem:s11], [sflag:$0x4] =	stream.indirect_vreg.gather [hbm4b:s1+s3], $0x80, v3, vm0, $0xb8;
	[tilespmem:$0x1E800] =	vst v63  }
0xb3: {  	s12 =	simm.s32 $0x17800  }
0xb4: {  	[tilespmem:s12], [sflag:$0x4] =	stream.indirect_vreg.gather [hbm4b:s5+s3], $0x80, v3, vm0, $0xb8;
	[tilespmem:$0x1E800] =	vst v63  }
0xb5: {  	s13 =	simm.s32 $0x18000  }
0xb6: {  	[tilespmem:s13], [sflag:$0x4] =	stream.indirect_vreg.gather [hbm4b:s6+s3], $0x80, v3, vm0, $0xb8;
	[tilespmem:$0x1E800] =	vst v63  }
0xb7: {  	v3 =	vld [tilespmem:$0x200];
	_ =	sdelay $0x4  }
0xb8: {  	v40 =	vshrl.u32 v3, $0x3  }
0xb9: {  	v4 =	vmul.u32 $0x30, v40  }
0xba: {  	v3 =	vand.u32 $0x7, v3  }
0xbb: {  	v3 =	vor.u32 v3, v4  }
0xbc: {  	v4 =	vperm.xlane v3, v0;
	_ =	sdelay $0x1  }
0xbd: {  	v4 =	vadd.s32 v1, v4;
	_ =	sdelay $0x3  }
0xbe: {  	v3 =	vperm.xlane v3, v2  }
0xbf: {  	[tilespmem:s9], [sflag:$0x5] =	stream.indirect_vreg.gather [hbm4b:s1+s3], $0x80, v4, vm0, $0xb8;
	[tilespmem:$0x1E800] =	vst v63  }
0xc0: {  	s16 =	simm.s32 $0x19000;
	v3 =	vadd.s32 v1, v3  }
0xc1: {  	[tilespmem:s16], [sflag:$0x5] =	stream.indirect_vreg.gather [hbm4b:s5+s3], $0x80, v4, vm0, $0xb8;
	[tilespmem:$0x1E800] =	vst v63  }
0xc2: {  	s17 =	simm.s32 $0x19800  }
0xc3: {  	[tilespmem:s17], [sflag:$0x5] =	stream.indirect_vreg.gather [hbm4b:s6+s3], $0x80, v4, vm0, $0xb8;
	[tilespmem:$0x1E800] =	vst v63  }
0xc4: {  	s10 =	simm.s32 $0x1A000  }
0xc5: {  	[tilespmem:s10], [sflag:$0x5] =	stream.indirect_vreg.gather [hbm4b:s1+s3], $0x80, v3, vm0, $0xb8;
	[tilespmem:$0x1E800] =	vst v63  }
0xc6: {  	s11 =	simm.s32 $0x1A800  }
0xc7: {  	[tilespmem:s11], [sflag:$0x5] =	stream.indirect_vreg.gather [hbm4b:s5+s3], $0x80, v3, vm0, $0xb8;
	[tilespmem:$0x1E800] =	vst v63  }
0xc8: {  	s12 =	simm.s32 $0x1B000  }
0xc9: {  	[tilespmem:s12], [sflag:$0x5] =	stream.indirect_vreg.gather [hbm4b:s6+s3], $0x80, v3, vm0, $0xb8;
	[tilespmem:$0x1E800] =	vst v63  }
0xca: {  	v3 =	vld [tilespmem:$0x210];
	_ =	sdelay $0x4  }
0xcb: {  	v41 =	vshrl.u32 v3, $0x3  }
0xcc: {  	v4 =	vmul.u32 $0x30, v41  }
0xcd: {  	v3 =	vand.u32 $0x7, v3  }
0xce: {  	v3 =	vor.u32 v3, v4  }
0xcf: {  	v4 =	vperm.xlane v3, v0;
	_ =	sdelay $0x1  }
0xd0: {  	v4 =	vadd.s32 v1, v4;
	_ =	sdelay $0x3  }
0xd1: {  	s13 =	simm.s32 $0x1B800;
	v3 =	vperm.xlane v3, v2  }
0xd2: {  	[tilespmem:s13], [sflag:$0x5] =	stream.indirect_vreg.gather [hbm4b:s1+s3], $0x80, v4, vm0, $0xb8;
	[tilespmem:$0x1E800] =	vst v63  }
0xd3: {  	s16 =	simm.s32 $0x1C000;
	v3 =	vadd.s32 v1, v3  }
0xd4: {  	[tilespmem:s16], [sflag:$0x5] =	stream.indirect_vreg.gather [hbm4b:s5+s3], $0x80, v4, vm0, $0xb8;
	[tilespmem:$0x1E800] =	vst v63  }
0xd5: {  	s17 =	simm.s32 $0x1C800  }
0xd6: {  	[tilespmem:s17], [sflag:$0x5] =	stream.indirect_vreg.gather [hbm4b:s6+s3], $0x80, v4, vm0, $0xb8;
	[tilespmem:$0x1E800] =	vst v63  }
0xd7: {  	s10 =	simm.s32 $0x1D000  }
0xd8: {  	[tilespmem:s10], [sflag:$0x5] =	stream.indirect_vreg.gather [hbm4b:s1+s3], $0x80, v3, vm0, $0xb8;
	[tilespmem:$0x1E800] =	vst v63  }
0xd9: {  	s11 =	simm.s32 $0x1D800  }
0xda: {  	[tilespmem:s11], [sflag:$0x5] =	stream.indirect_vreg.gather [hbm4b:s5+s3], $0x80, v3, vm0, $0xb8;
	[tilespmem:$0x1E800] =	vst v63  }
0xdb: {  	s12 =	simm.s32 $0x1E000  }
0xdc: {  	[tilespmem:s12], [sflag:$0x5] =	stream.indirect_vreg.gather [hbm4b:s6+s3], $0x80, v3, vm0, $0xb8;
	[tilespmem:$0x1E800] =	vst v63  }
0xdd: {  	_ =	swait.ge [sflag:s23], $0x6000  }
0xde: {  	[sflag:s23] =	ssyncset.done $0x0  }
0xdf: {  	s13 =	rddreg [dreg:$0x14];
	[sflag:s23] =	ssyncadd.s32 $0xFFFFA000  }
0xe0: {  	[hbm4b:s13+s3] =	stream.linear.scatter [tilespmem:s18], [sflag:$0x6], $0x6000, $0x38;
	[tilespmem:$0x1E800] =	vst v63  }
0xe1: {  	_ =	swait.ge [sflag:s24], $0x6000  }
0xe2: {  	[sflag:s24] =	ssyncset.done $0x0  }
0xe3: {  	s16 =	rddreg [dreg:$0x5];
	[sflag:s24] =	ssyncadd.s32 $0xFFFFA000  }
0xe4: {  	[hbm4b:s16+s3] =	stream.linear.scatter [tilespmem:s4], [sflag:$0x7], $0x6000, $0x38;
	[tilespmem:$0x1E800] =	vst v63  }
0xe5: {  	_ =	swait.ge [sflag:s25], $0x6000  }
0xe6: {  	[sflag:s25] =	ssyncset.done $0x0  }
0xe7: {  	s17 =	rddreg [dreg:$0x6];
	[sflag:s25] =	ssyncadd.s32 $0xFFFFA000  }
0xe8: {  	[hbm4b:s17+s3] =	stream.linear.scatter [tilespmem:s21], [sflag:$0x8], $0x6000, $0x38;
	[tilespmem:$0x1E800] =	vst v63  }
0xe9: {  	_ =	swait.ge [sflag:s26], $0x6000  }
0xea: {  	[sflag:s26] =	ssyncset.done $0x0  }
0xeb: {  	[sflag:s26] =	ssyncadd.s32 $0xFFFFA000  }
0xec: {  	v3 =	vld [tilespmem:$0x280];
	_ =	sdelay $0x4  }
0xed: {  	v42 =	vshrl.u32 v3, $0x3  }
0xee: {  	v4 =	vmul.u32 $0x30, v42  }
0xef: {  	v3 =	vand.u32 $0x7, v3  }
0xf0: {  	v3 =	vor.u32 v3, v4  }
0xf1: {  	v4 =	vperm.xlane v3, v0;
	_ =	sdelay $0x1  }
0xf2: {  	v4 =	vadd.s32 v1, v4;
	_ =	sdelay $0x3  }
0xf3: {  	v3 =	vperm.xlane v3, v2  }
0xf4: {  	[tilespmem:s18], [sflag:$0x1] =	stream.indirect_vreg.gather [hbm4b:s1+s3], $0x80, v4, vm0, $0xb8;
	[tilespmem:$0x1E800] =	vst v63  }
0xf5: {  	s8 =	simm.s32 $0x1000;
	v3 =	vadd.s32 v1, v3  }
0xf6: {  	[tilespmem:s8], [sflag:$0x1] =	stream.indirect_vreg.gather [hbm4b:s5+s3], $0x80, v4, vm0, $0xb8;
	[tilespmem:$0x1E800] =	vst v63  }
0xf7: {  	s11 =	simm.s32 $0x1800  }
0xf8: {  	[tilespmem:s11], [sflag:$0x1] =	stream.indirect_vreg.gather [hbm4b:s6+s3], $0x80, v4, vm0, $0xb8;
	[tilespmem:$0x1E800] =	vst v63  }
0xf9: {  	s12 =	simm.s32 $0x2000  }
0xfa: {  	[tilespmem:s12], [sflag:$0x1] =	stream.indirect_vreg.gather [hbm4b:s1+s3], $0x80, v3, vm0, $0xb8;
	[tilespmem:$0x1E800] =	vst v63  }
0xfb: {  	s13 =	simm.s32 $0x2800  }
0xfc: {  	[tilespmem:s13], [sflag:$0x1] =	stream.indirect_vreg.gather [hbm4b:s5+s3], $0x80, v3, vm0, $0xb8;
	[tilespmem:$0x1E800] =	vst v63  }
0xfd: {  	s14 =	simm.s32 $0x3000  }
0xfe: {  	[tilespmem:s14], [sflag:$0x1] =	stream.indirect_vreg.gather [hbm4b:s6+s3], $0x80, v3, vm0, $0xb8;
	[tilespmem:$0x1E800] =	vst v63  }
0xff: {  	v3 =	vld [tilespmem:$0x290];
	_ =	sdelay $0x4  }
0x100: {  	v43 =	vshrl.u32 v3, $0x3  }
0x101: {  	v4 =	vmul.u32 $0x30, v43  }
0x102: {  	v3 =	vand.u32 $0x7, v3  }
0x103: {  	v3 =	vor.u32 v3, v4  }
0x104: {  	v4 =	vperm.xlane v3, v0;
	_ =	sdelay $0x1  }
0x105: {  	v4 =	vadd.s32 v1, v4;
	_ =	sdelay $0x3  }
0x106: {  	s15 =	simm.s32 $0x3800;
	v3 =	vperm.xlane v3, v2  }
0x107: {  	[tilespmem:s15], [sflag:$0x1] =	stream.indirect_vreg.gather [hbm4b:s1+s3], $0x80, v4, vm0, $0xb8;
	[tilespmem:$0x1E800] =	vst v63  }
0x108: {  	s14 =	simm.s32 $0x4000;
	v3 =	vadd.s32 v1, v3  }
0x109: {  	[tilespmem:s14], [sflag:$0x1] =	stream.indirect_vreg.gather [hbm4b:s5+s3], $0x80, v4, vm0, $0xb8;
	[tilespmem:$0x1E800] =	vst v63  }
0x10a: {  	s15 =	simm.s32 $0x4800  }
0x10b: {  	[tilespmem:s15], [sflag:$0x1] =	stream.indirect_vreg.gather [hbm4b:s6+s3], $0x80, v4, vm0, $0xb8;
	[tilespmem:$0x1E800] =	vst v63  }
0x10c: {  	s16 =	simm.s32 $0x5000  }
0x10d: {  	[tilespmem:s16], [sflag:$0x1] =	stream.indirect_vreg.gather [hbm4b:s1+s3], $0x80, v3, vm0, $0xb8;
	[tilespmem:$0x1E800] =	vst v63  }
0x10e: {  	s17 =	simm.s32 $0x5800  }
0x10f: {  	[tilespmem:s17], [sflag:$0x1] =	stream.indirect_vreg.gather [hbm4b:s5+s3], $0x80, v3, vm0, $0xb8;
	[tilespmem:$0x1E800] =	vst v63  }
0x110: {  	s19 =	simm.s32 $0x6000  }
0x111: {  	[tilespmem:s19], [sflag:$0x1] =	stream.indirect_vreg.gather [hbm4b:s6+s3], $0x80, v3, vm0, $0xb8;
	[tilespmem:$0x1E800] =	vst v63  }
0x112: {  	_ =	swait.ge [sflag:s28], $0x6000  }
0x113: {  	[sflag:s28] =	ssyncset.done $0x0  }
0x114: {  	s19 =	rddreg [dreg:$0x7];
	[sflag:s28] =	ssyncadd.s32 $0xFFFFA000  }
0x115: {  	[hbm4b:s19+s3] =	stream.linear.scatter [tilespmem:s0], [sflag:$0x9], $0x6000, $0x38;
	[tilespmem:$0x1E800] =	vst v63  }
0x116: {  	_ =	swait.ge [sflag:s29], $0x6000  }
0x117: {  	[sflag:s29] =	ssyncset.done $0x0  }
0x118: {  	[sflag:s29] =	ssyncadd.s32 $0xFFFFA000  }
0x119: {  	v3 =	vld [tilespmem:$0x300];
	_ =	sdelay $0x4  }
0x11a: {  	v44 =	vshrl.u32 v3, $0x3  }
0x11b: {  	v4 =	vmul.u32 $0x30, v44  }
0x11c: {  	v3 =	vand.u32 $0x7, v3  }
0x11d: {  	v3 =	vor.u32 v3, v4  }
0x11e: {  	v4 =	vperm.xlane v3, v0;
	_ =	sdelay $0x1  }
0x11f: {  	v4 =	vadd.s32 v1, v4;
	_ =	sdelay $0x3  }
0x120: {  	v3 =	vperm.xlane v3, v2  }
0x121: {  	[tilespmem:s4], [sflag:$0x2] =	stream.indirect_vreg.gather [hbm4b:s1+s3], $0x80, v4, vm0, $0xb8;
	[tilespmem:$0x1E800] =	vst v63  }
0x122: {  	s19 =	simm.s32 $0x7000;
	v3 =	vadd.s32 v1, v3  }
0x123: {  	[tilespmem:s19], [sflag:$0x2] =	stream.indirect_vreg.gather [hbm4b:s5+s3], $0x80, v4, vm0, $0xb8;
	[tilespmem:$0x1E800] =	vst v63  }
0x124: {  	s19 =	simm.s32 $0x7800  }
0x125: {  	[tilespmem:s19], [sflag:$0x2] =	stream.indirect_vreg.gather [hbm4b:s6+s3], $0x80, v4, vm0, $0xb8;
	[tilespmem:$0x1E800] =	vst v63  }
0x126: {  	s19 =	simm.s32 $0x8000  }
0x127: {  	[tilespmem:s19], [sflag:$0x2] =	stream.indirect_vreg.gather [hbm4b:s1+s3], $0x80, v3, vm0, $0xb8;
	[tilespmem:$0x1E800] =	vst v63  }
0x128: {  	s19 =	simm.s32 $0x8800  }
0x129: {  	[tilespmem:s19], [sflag:$0x2] =	stream.indirect_vreg.gather [hbm4b:s5+s3], $0x80, v3, vm0, $0xb8;
	[tilespmem:$0x1E800] =	vst v63  }
0x12a: {  	s19 =	simm.s32 $0x9000  }
0x12b: {  	[tilespmem:s19], [sflag:$0x2] =	stream.indirect_vreg.gather [hbm4b:s6+s3], $0x80, v3, vm0, $0xb8;
	[tilespmem:$0x1E800] =	vst v63  }
0x12c: {  	v3 =	vld [tilespmem:$0x310];
	_ =	sdelay $0x4  }
0x12d: {  	v45 =	vshrl.u32 v3, $0x3  }
0x12e: {  	v4 =	vmul.u32 $0x30, v45  }
0x12f: {  	v3 =	vand.u32 $0x7, v3  }
0x130: {  	v3 =	vor.u32 v3, v4  }
0x131: {  	v4 =	vperm.xlane v3, v0;
	_ =	sdelay $0x1  }
0x132: {  	v4 =	vadd.s32 v1, v4;
	_ =	sdelay $0x3  }
0x133: {  	s19 =	simm.s32 $0x9800;
	v3 =	vperm.xlane v3, v2  }
0x134: {  	[tilespmem:s19], [sflag:$0x2] =	stream.indirect_vreg.gather [hbm4b:s1+s3], $0x80, v4, vm0, $0xb8;
	[tilespmem:$0x1E800] =	vst v63  }
0x135: {  	v3 =	vadd.s32 v1, v3;
	s19 =	simm.s32 $0xA000  }
0x136: {  	[tilespmem:s19], [sflag:$0x2] =	stream.indirect_vreg.gather [hbm4b:s5+s3], $0x80, v4, vm0, $0xb8;
	[tilespmem:$0x1E800] =	vst v63  }
0x137: {  	s19 =	simm.s32 $0xA800  }
0x138: {  	[tilespmem:s19], [sflag:$0x2] =	stream.indirect_vreg.gather [hbm4b:s6+s3], $0x80, v4, vm0, $0xb8;
	[tilespmem:$0x1E800] =	vst v63  }
0x139: {  	s19 =	simm.s32 $0xB000  }
0x13a: {  	[tilespmem:s19], [sflag:$0x2] =	stream.indirect_vreg.gather [hbm4b:s1+s3], $0x80, v3, vm0, $0xb8;
	[tilespmem:$0x1E800] =	vst v63  }
0x13b: {  	s19 =	simm.s32 $0xB800  }
0x13c: {  	[tilespmem:s19], [sflag:$0x2] =	stream.indirect_vreg.gather [hbm4b:s5+s3], $0x80, v3, vm0, $0xb8;
	[tilespmem:$0x1E800] =	vst v63  }
0x13d: {  	_ = 	snop  }
0x13e: {  	[tilespmem:s20], [sflag:$0x2] =	stream.indirect_vreg.gather [hbm4b:s6+s3], $0x80, v3, vm0, $0xb8;
	[tilespmem:$0x1E800] =	vst v63  }
0x13f: {  	_ =	swait.ge [sflag:s30], $0x6000  }
0x140: {  	[sflag:s30] =	ssyncset.done $0x0  }
0x141: {  	s19 =	rddreg [dreg:$0x8];
	[sflag:s30] =	ssyncadd.s32 $0xFFFFA000  }
0x142: {  	[hbm4b:s19+s3] =	stream.linear.scatter [tilespmem:s9], [sflag:$0xA], $0x6000, $0x38;
	[tilespmem:$0x1E800] =	vst v63  }
0x143: {  	_ =	swait.ge [sflag:s31], $0x6000  }
0x144: {  	[sflag:s31] =	ssyncset.done $0x0  }
0x145: {  	[sflag:s31] =	ssyncadd.s32 $0xFFFFA000  }
0x146: {  	v3 =	vld [tilespmem:$0x380];
	_ =	sdelay $0x4  }
0x147: {  	v46 =	vshrl.u32 v3, $0x3  }
0x148: {  	v4 =	vmul.u32 $0x30, v46  }
0x149: {  	v3 =	vand.u32 $0x7, v3  }
0x14a: {  	v3 =	vor.u32 v3, v4  }
0x14b: {  	v4 =	vperm.xlane v3, v0;
	_ =	sdelay $0x1  }
0x14c: {  	v4 =	vadd.s32 v1, v4;
	_ =	sdelay $0x3  }
0x14d: {  	v3 =	vperm.xlane v3, v2  }
0x14e: {  	[tilespmem:s21], [sflag:$0x3] =	stream.indirect_vreg.gather [hbm4b:s1+s3], $0x80, v4, vm0, $0xb8;
	[tilespmem:$0x1E800] =	vst v63  }
0x14f: {  	s19 =	simm.s32 $0xD000;
	v3 =	vadd.s32 v1, v3  }
0x150: {  	[tilespmem:s19], [sflag:$0x3] =	stream.indirect_vreg.gather [hbm4b:s5+s3], $0x80, v4, vm0, $0xb8;
	[tilespmem:$0x1E800] =	vst v63  }
0x151: {  	s19 =	simm.s32 $0xD800  }
0x152: {  	[tilespmem:s19], [sflag:$0x3] =	stream.indirect_vreg.gather [hbm4b:s6+s3], $0x80, v4, vm0, $0xb8;
	[tilespmem:$0x1E800] =	vst v63  }
0x153: {  	s19 =	simm.s32 $0xE000  }
0x154: {  	[tilespmem:s19], [sflag:$0x3] =	stream.indirect_vreg.gather [hbm4b:s1+s3], $0x80, v3, vm0, $0xb8;
	[tilespmem:$0x1E800] =	vst v63  }
0x155: {  	s19 =	simm.s32 $0xE800  }
0x156: {  	[tilespmem:s19], [sflag:$0x3] =	stream.indirect_vreg.gather [hbm4b:s5+s3], $0x80, v3, vm0, $0xb8;
	[tilespmem:$0x1E800] =	vst v63  }
0x157: {  	s19 =	simm.s32 $0xF000  }
0x158: {  	[tilespmem:s19], [sflag:$0x3] =	stream.indirect_vreg.gather [hbm4b:s6+s3], $0x80, v3, vm0, $0xb8;
	[tilespmem:$0x1E800] =	vst v63  }
0x159: {  	v3 =	vld [tilespmem:$0x390];
	_ =	sdelay $0x4  }
0x15a: {  	v47 =	vshrl.u32 v3, $0x3  }
0x15b: {  	v4 =	vmul.u32 $0x30, v47  }
0x15c: {  	v3 =	vand.u32 $0x7, v3  }
0x15d: {  	v3 =	vor.u32 v3, v4  }
0x15e: {  	v4 =	vperm.xlane v3, v0;
	_ =	sdelay $0x1  }
0x15f: {  	v4 =	vadd.s32 v1, v4;
	_ =	sdelay $0x3  }
0x160: {  	s19 =	simm.s32 $0xF800;
	v3 =	vperm.xlane v3, v2  }
0x161: {  	[tilespmem:s19], [sflag:$0x3] =	stream.indirect_vreg.gather [hbm4b:s1+s3], $0x80, v4, vm0, $0xb8;
	[tilespmem:$0x1E800] =	vst v63  }
0x162: {  	v3 =	vadd.s32 v1, v3;
	s19 =	simm.s32 $0x10000  }
0x163: {  	[tilespmem:s19], [sflag:$0x3] =	stream.indirect_vreg.gather [hbm4b:s5+s3], $0x80, v4, vm0, $0xb8;
	[tilespmem:$0x1E800] =	vst v63  }
0x164: {  	s19 =	simm.s32 $0x10800  }
0x165: {  	[tilespmem:s19], [sflag:$0x3] =	stream.indirect_vreg.gather [hbm4b:s6+s3], $0x80, v4, vm0, $0xb8;
	[tilespmem:$0x1E800] =	vst v63  }
0x166: {  	s19 =	simm.s32 $0x11000  }
0x167: {  	[tilespmem:s19], [sflag:$0x3] =	stream.indirect_vreg.gather [hbm4b:s1+s3], $0x80, v3, vm0, $0xb8;
	[tilespmem:$0x1E800] =	vst v63  }
0x168: {  	s19 =	simm.s32 $0x11800  }
0x169: {  	[tilespmem:s19], [sflag:$0x3] =	stream.indirect_vreg.gather [hbm4b:s5+s3], $0x80, v3, vm0, $0xb8;
	[tilespmem:$0x1E800] =	vst v63  }
0x16a: {  	s19 =	simm.s32 $0x12000  }
0x16b: {  	[tilespmem:s19], [sflag:$0x3] =	stream.indirect_vreg.gather [hbm4b:s6+s3], $0x80, v3, vm0, $0xb8;
	[tilespmem:$0x1E800] =	vst v63  }
0x16c: {  	_ =	swait.ge [sflag:s23], $0x6000  }
0x16d: {  	[sflag:s23] =	ssyncset.done $0x0  }
0x16e: {  	s19 =	rddreg [dreg:$0x9];
	[sflag:s23] =	ssyncadd.s32 $0xFFFFA000  }
0x16f: {  	[hbm4b:s19+s3] =	stream.linear.scatter [tilespmem:s18], [sflag:$0x6], $0x6000, $0x38;
	[tilespmem:$0x1E800] =	vst v63  }
0x170: {  	_ =	swait.ge [sflag:s2], $0x6000  }
0x171: {  	[sflag:s2] =	ssyncset.done $0x0  }
0x172: {  	[sflag:s2] =	ssyncadd.s32 $0xFFFFA000  }
0x173: {  	v3 =	vld [tilespmem:$0x400];
	_ =	sdelay $0x4  }
0x174: {  	v48 =	vshrl.u32 v3, $0x3  }
0x175: {  	v4 =	vmul.u32 $0x30, v48  }
0x176: {  	v3 =	vand.u32 $0x7, v3  }
0x177: {  	v3 =	vor.u32 v3, v4  }
0x178: {  	v4 =	vperm.xlane v3, v0;
	_ =	sdelay $0x1  }
0x179: {  	v4 =	vadd.s32 v1, v4;
	_ =	sdelay $0x3  }
0x17a: {  	v3 =	vperm.xlane v3, v2  }
0x17b: {  	[tilespmem:s0], [sflag:$0x4] =	stream.indirect_vreg.gather [hbm4b:s1+s3], $0x80, v4, vm0, $0xb8;
	[tilespmem:$0x1E800] =	vst v63  }
0x17c: {  	s19 =	simm.s32 $0x13000;
	v3 =	vadd.s32 v1, v3  }
0x17d: {  	[tilespmem:s19], [sflag:$0x4] =	stream.indirect_vreg.gather [hbm4b:s5+s3], $0x80, v4, vm0, $0xb8;
	[tilespmem:$0x1E800] =	vst v63  }
0x17e: {  	s19 =	simm.s32 $0x13800  }
0x17f: {  	[tilespmem:s19], [sflag:$0x4] =	stream.indirect_vreg.gather [hbm4b:s6+s3], $0x80, v4, vm0, $0xb8;
	[tilespmem:$0x1E800] =	vst v63  }
0x180: {  	s19 =	simm.s32 $0x14000  }
0x181: {  	[tilespmem:s19], [sflag:$0x4] =	stream.indirect_vreg.gather [hbm4b:s1+s3], $0x80, v3, vm0, $0xb8;
	[tilespmem:$0x1E800] =	vst v63  }
0x182: {  	s19 =	simm.s32 $0x14800  }
0x183: {  	[tilespmem:s19], [sflag:$0x4] =	stream.indirect_vreg.gather [hbm4b:s5+s3], $0x80, v3, vm0, $0xb8;
	[tilespmem:$0x1E800] =	vst v63  }
0x184: {  	s19 =	simm.s32 $0x15000  }
0x185: {  	[tilespmem:s19], [sflag:$0x4] =	stream.indirect_vreg.gather [hbm4b:s6+s3], $0x80, v3, vm0, $0xb8;
	[tilespmem:$0x1E800] =	vst v63  }
0x186: {  	v3 =	vld [tilespmem:$0x410];
	_ =	sdelay $0x4  }
0x187: {  	v49 =	vshrl.u32 v3, $0x3  }
0x188: {  	v4 =	vmul.u32 $0x30, v49  }
0x189: {  	v3 =	vand.u32 $0x7, v3  }
0x18a: {  	v3 =	vor.u32 v3, v4  }
0x18b: {  	v4 =	vperm.xlane v3, v0;
	_ =	sdelay $0x1  }
0x18c: {  	v4 =	vadd.s32 v1, v4;
	_ =	sdelay $0x3  }
0x18d: {  	s19 =	simm.s32 $0x15800;
	v3 =	vperm.xlane v3, v2  }
0x18e: {  	[tilespmem:s19], [sflag:$0x4] =	stream.indirect_vreg.gather [hbm4b:s1+s3], $0x80, v4, vm0, $0xb8;
	[tilespmem:$0x1E800] =	vst v63  }
0x18f: {  	v3 =	vadd.s32 v1, v3;
	s19 =	simm.s32 $0x16000  }
0x190: {  	[tilespmem:s19], [sflag:$0x4] =	stream.indirect_vreg.gather [hbm4b:s5+s3], $0x80, v4, vm0, $0xb8;
	[tilespmem:$0x1E800] =	vst v63  }
0x191: {  	s19 =	simm.s32 $0x16800  }
0x192: {  	[tilespmem:s19], [sflag:$0x4] =	stream.indirect_vreg.gather [hbm4b:s6+s3], $0x80, v4, vm0, $0xb8;
	[tilespmem:$0x1E800] =	vst v63  }
0x193: {  	s19 =	simm.s32 $0x17000  }
0x194: {  	[tilespmem:s19], [sflag:$0x4] =	stream.indirect_vreg.gather [hbm4b:s1+s3], $0x80, v3, vm0, $0xb8;
	[tilespmem:$0x1E800] =	vst v63  }
0x195: {  	s19 =	simm.s32 $0x17800  }
0x196: {  	[tilespmem:s19], [sflag:$0x4] =	stream.indirect_vreg.gather [hbm4b:s5+s3], $0x80, v3, vm0, $0xb8;
	[tilespmem:$0x1E800] =	vst v63  }
0x197: {  	s19 =	simm.s32 $0x18000  }
0x198: {  	[tilespmem:s19], [sflag:$0x4] =	stream.indirect_vreg.gather [hbm4b:s6+s3], $0x80, v3, vm0, $0xb8;
	[tilespmem:$0x1E800] =	vst v63  }
0x199: {  	_ =	swait.ge [sflag:s24], $0x6000  }
0x19a: {  	[sflag:s24] =	ssyncset.done $0x0  }
0x19b: {  	s19 =	rddreg [dreg:$0xa];
	[sflag:s24] =	ssyncadd.s32 $0xFFFFA000  }
0x19c: {  	[hbm4b:s19+s3] =	stream.linear.scatter [tilespmem:s4], [sflag:$0x7], $0x6000, $0x38;
	[tilespmem:$0x1E800] =	vst v63  }
0x19d: {  	_ =	swait.ge [sflag:s22], $0x6000  }
0x19e: {  	[sflag:s22] =	ssyncset.done $0x0  }
0x19f: {  	[sflag:s22] =	ssyncadd.s32 $0xFFFFA000  }
0x1a0: {  	v3 =	vld [tilespmem:$0x480];
	_ =	sdelay $0x4  }
0x1a1: {  	v50 =	vshrl.u32 v3, $0x3  }
0x1a2: {  	v4 =	vmul.u32 $0x30, v50  }
0x1a3: {  	v3 =	vand.u32 $0x7, v3  }
0x1a4: {  	v3 =	vor.u32 v3, v4  }
0x1a5: {  	v4 =	vperm.xlane v3, v0;
	_ =	sdelay $0x1  }
0x1a6: {  	v4 =	vadd.s32 v1, v4;
	_ =	sdelay $0x3  }
0x1a7: {  	v3 =	vperm.xlane v3, v2  }
0x1a8: {  	[tilespmem:s9], [sflag:$0x5] =	stream.indirect_vreg.gather [hbm4b:s1+s3], $0x80, v4, vm0, $0xb8;
	[tilespmem:$0x1E800] =	vst v63  }
0x1a9: {  	s19 =	simm.s32 $0x19000;
	v3 =	vadd.s32 v1, v3  }
0x1aa: {  	[tilespmem:s19], [sflag:$0x5] =	stream.indirect_vreg.gather [hbm4b:s5+s3], $0x80, v4, vm0, $0xb8;
	[tilespmem:$0x1E800] =	vst v63  }
0x1ab: {  	s10 =	simm.s32 $0x19800  }
0x1ac: {  	[tilespmem:s10], [sflag:$0x5] =	stream.indirect_vreg.gather [hbm4b:s6+s3], $0x80, v4, vm0, $0xb8;
	[tilespmem:$0x1E800] =	vst v63  }
0x1ad: {  	s10 =	simm.s32 $0x1A000  }
0x1ae: {  	[tilespmem:s10], [sflag:$0x5] =	stream.indirect_vreg.gather [hbm4b:s1+s3], $0x80, v3, vm0, $0xb8;
	[tilespmem:$0x1E800] =	vst v63  }
0x1af: {  	s10 =	simm.s32 $0x1A800  }
0x1b0: {  	[tilespmem:s10], [sflag:$0x5] =	stream.indirect_vreg.gather [hbm4b:s5+s3], $0x80, v3, vm0, $0xb8;
	[tilespmem:$0x1E800] =	vst v63  }
0x1b1: {  	s10 =	simm.s32 $0x1B000  }
0x1b2: {  	[tilespmem:s10], [sflag:$0x5] =	stream.indirect_vreg.gather [hbm4b:s6+s3], $0x80, v3, vm0, $0xb8;
	[tilespmem:$0x1E800] =	vst v63  }
0x1b3: {  	v3 =	vld [tilespmem:$0x490];
	_ =	sdelay $0x4  }
0x1b4: {  	v51 =	vshrl.u32 v3, $0x3  }
0x1b5: {  	v4 =	vmul.u32 $0x30, v51  }
0x1b6: {  	v3 =	vand.u32 $0x7, v3  }
0x1b7: {  	v3 =	vor.u32 v3, v4  }
0x1b8: {  	v4 =	vperm.xlane v3, v0;
	_ =	sdelay $0x1  }
0x1b9: {  	v4 =	vadd.s32 v1, v4;
	_ =	sdelay $0x3  }
0x1ba: {  	s10 =	simm.s32 $0x1B800;
	v3 =	vperm.xlane v3, v2  }
0x1bb: {  	[tilespmem:s10], [sflag:$0x5] =	stream.indirect_vreg.gather [hbm4b:s1+s3], $0x80, v4, vm0, $0xb8;
	[tilespmem:$0x1E800] =	vst v63  }
0x1bc: {  	v3 =	vadd.s32 v1, v3;
	s10 =	simm.s32 $0x1C000  }
0x1bd: {  	[tilespmem:s10], [sflag:$0x5] =	stream.indirect_vreg.gather [hbm4b:s5+s3], $0x80, v4, vm0, $0xb8;
	[tilespmem:$0x1E800] =	vst v63  }
0x1be: {  	s10 =	simm.s32 $0x1C800  }
0x1bf: {  	[tilespmem:s10], [sflag:$0x5] =	stream.indirect_vreg.gather [hbm4b:s6+s3], $0x80, v4, vm0, $0xb8;
	[tilespmem:$0x1E800] =	vst v63  }
0x1c0: {  	s10 =	simm.s32 $0x1D000  }
0x1c1: {  	[tilespmem:s10], [sflag:$0x5] =	stream.indirect_vreg.gather [hbm4b:s1+s3], $0x80, v3, vm0, $0xb8;
	[tilespmem:$0x1E800] =	vst v63  }
0x1c2: {  	s10 =	simm.s32 $0x1D800  }
0x1c3: {  	[tilespmem:s10], [sflag:$0x5] =	stream.indirect_vreg.gather [hbm4b:s5+s3], $0x80, v3, vm0, $0xb8;
	[tilespmem:$0x1E800] =	vst v63  }
0x1c4: {  	s10 =	simm.s32 $0x1E000  }
0x1c5: {  	[tilespmem:s10], [sflag:$0x5] =	stream.indirect_vreg.gather [hbm4b:s6+s3], $0x80, v3, vm0, $0xb8;
	[tilespmem:$0x1E800] =	vst v63  }
0x1c6: {  	_ =	swait.ge [sflag:s25], $0x6000  }
0x1c7: {  	[sflag:s25] =	ssyncset.done $0x0  }
0x1c8: {  	s10 =	rddreg [dreg:$0xb];
	[sflag:s25] =	ssyncadd.s32 $0xFFFFA000  }
0x1c9: {  	[hbm4b:s10+s3] =	stream.linear.scatter [tilespmem:s21], [sflag:$0x8], $0x6000, $0x38;
	[tilespmem:$0x1E800] =	vst v63  }
0x1ca: {  	_ =	swait.ge [sflag:s26], $0x6000  }
0x1cb: {  	[sflag:s26] =	ssyncset.done $0x0  }
0x1cc: {  	[sflag:s26] =	ssyncadd.s32 $0xFFFFA000  }
0x1cd: {  	v3 =	vld [tilespmem:$0x500];
	_ =	sdelay $0x4  }
0x1ce: {  	v52 =	vshrl.u32 v3, $0x3  }
0x1cf: {  	v4 =	vmul.u32 $0x30, v52  }
0x1d0: {  	v3 =	vand.u32 $0x7, v3  }
0x1d1: {  	v3 =	vor.u32 v3, v4  }
0x1d2: {  	v4 =	vperm.xlane v3, v0;
	_ =	sdelay $0x1  }
0x1d3: {  	v4 =	vadd.s32 v1, v4;
	_ =	sdelay $0x3  }
0x1d4: {  	v3 =	vperm.xlane v3, v2  }
0x1d5: {  	[tilespmem:s18], [sflag:$0x1] =	stream.indirect_vreg.gather [hbm4b:s1+s3], $0x80, v4, vm0, $0xb8;
	[tilespmem:$0x1E800] =	vst v63  }
0x1d6: {  	v3 =	vadd.s32 v1, v3  }
0x1d7: {  	[tilespmem:s8], [sflag:$0x1] =	stream.indirect_vreg.gather [hbm4b:s5+s3], $0x80, v4, vm0, $0xb8;
	[tilespmem:$0x1E800] =	vst v63  }
0x1d8: {  	_ = 	snop  }
0x1d9: {  	[tilespmem:s11], [sflag:$0x1] =	stream.indirect_vreg.gather [hbm4b:s6+s3], $0x80, v4, vm0, $0xb8;
	[tilespmem:$0x1E800] =	vst v63  }
0x1da: {  	_ = 	snop  }
0x1db: {  	[tilespmem:s12], [sflag:$0x1] =	stream.indirect_vreg.gather [hbm4b:s1+s3], $0x80, v3, vm0, $0xb8;
	[tilespmem:$0x1E800] =	vst v63  }
0x1dc: {  	_ = 	snop  }
0x1dd: {  	[tilespmem:s13], [sflag:$0x1] =	stream.indirect_vreg.gather [hbm4b:s5+s3], $0x80, v3, vm0, $0xb8;
	[tilespmem:$0x1E800] =	vst v63  }
0x1de: {  	s10 =	simm.s32 $0x3000  }
0x1df: {  	[tilespmem:s10], [sflag:$0x1] =	stream.indirect_vreg.gather [hbm4b:s6+s3], $0x80, v3, vm0, $0xb8;
	[tilespmem:$0x1E800] =	vst v63  }
0x1e0: {  	v3 =	vld [tilespmem:$0x510];
	_ =	sdelay $0x4  }
0x1e1: {  	v53 =	vshrl.u32 v3, $0x3  }
0x1e2: {  	v4 =	vmul.u32 $0x30, v53  }
0x1e3: {  	v3 =	vand.u32 $0x7, v3  }
0x1e4: {  	v3 =	vor.u32 v3, v4  }
0x1e5: {  	v4 =	vperm.xlane v3, v0;
	_ =	sdelay $0x1  }
0x1e6: {  	v4 =	vadd.s32 v1, v4;
	_ =	sdelay $0x3  }
0x1e7: {  	s10 =	simm.s32 $0x3800;
	v3 =	vperm.xlane v3, v2  }
0x1e8: {  	[tilespmem:s10], [sflag:$0x1] =	stream.indirect_vreg.gather [hbm4b:s1+s3], $0x80, v4, vm0, $0xb8;
	[tilespmem:$0x1E800] =	vst v63  }
0x1e9: {  	v3 =	vadd.s32 v1, v3  }
0x1ea: {  	[tilespmem:s14], [sflag:$0x1] =	stream.indirect_vreg.gather [hbm4b:s5+s3], $0x80, v4, vm0, $0xb8;
	[tilespmem:$0x1E800] =	vst v63  }
0x1eb: {  	_ = 	snop  }
0x1ec: {  	[tilespmem:s15], [sflag:$0x1] =	stream.indirect_vreg.gather [hbm4b:s6+s3], $0x80, v4, vm0, $0xb8;
	[tilespmem:$0x1E800] =	vst v63  }
0x1ed: {  	_ = 	snop  }
0x1ee: {  	[tilespmem:s16], [sflag:$0x1] =	stream.indirect_vreg.gather [hbm4b:s1+s3], $0x80, v3, vm0, $0xb8;
	[tilespmem:$0x1E800] =	vst v63  }
0x1ef: {  	_ = 	snop  }
0x1f0: {  	[tilespmem:s17], [sflag:$0x1] =	stream.indirect_vreg.gather [hbm4b:s5+s3], $0x80, v3, vm0, $0xb8;
	[tilespmem:$0x1E800] =	vst v63  }
0x1f1: {  	s10 =	simm.s32 $0x6000  }
0x1f2: {  	[tilespmem:s10], [sflag:$0x1] =	stream.indirect_vreg.gather [hbm4b:s6+s3], $0x80, v3, vm0, $0xb8;
	[tilespmem:$0x1E800] =	vst v63  }
0x1f3: {  	_ =	swait.ge [sflag:s28], $0x6000  }
0x1f4: {  	[sflag:s28] =	ssyncset.done $0x0  }
0x1f5: {  	s10 =	rddreg [dreg:$0xc];
	[sflag:s28] =	ssyncadd.s32 $0xFFFFA000  }
0x1f6: {  	[hbm4b:s10+s3] =	stream.linear.scatter [tilespmem:s0], [sflag:$0x9], $0x6000, $0x38;
	[tilespmem:$0x1E800] =	vst v63  }
0x1f7: {  	_ =	swait.ge [sflag:s29], $0x6000  }
0x1f8: {  	[sflag:s29] =	ssyncset.done $0x0  }
0x1f9: {  	[sflag:s29] =	ssyncadd.s32 $0xFFFFA000  }
0x1fa: {  	v3 =	vld [tilespmem:$0x580];
	_ =	sdelay $0x4  }
0x1fb: {  	v54 =	vshrl.u32 v3, $0x3  }
0x1fc: {  	v4 =	vmul.u32 $0x30, v54  }
0x1fd: {  	v3 =	vand.u32 $0x7, v3  }
0x1fe: {  	v3 =	vor.u32 v3, v4  }
0x1ff: {  	v4 =	vperm.xlane v3, v0;
	_ =	sdelay $0x1  }
0x200: {  	v4 =	vadd.s32 v1, v4;
	_ =	sdelay $0x3  }
0x201: {  	v3 =	vperm.xlane v3, v2  }
0x202: {  	[tilespmem:s4], [sflag:$0x2] =	stream.indirect_vreg.gather [hbm4b:s1+s3], $0x80, v4, vm0, $0xb8;
	[tilespmem:$0x1E800] =	vst v63  }
0x203: {  	s10 =	simm.s32 $0x7000;
	v3 =	vadd.s32 v1, v3  }
0x204: {  	[tilespmem:s10], [sflag:$0x2] =	stream.indirect_vreg.gather [hbm4b:s5+s3], $0x80, v4, vm0, $0xb8;
	[tilespmem:$0x1E800] =	vst v63  }
0x205: {  	s10 =	simm.s32 $0x7800  }
0x206: {  	[tilespmem:s10], [sflag:$0x2] =	stream.indirect_vreg.gather [hbm4b:s6+s3], $0x80, v4, vm0, $0xb8;
	[tilespmem:$0x1E800] =	vst v63  }
0x207: {  	s10 =	simm.s32 $0x8000  }
0x208: {  	[tilespmem:s10], [sflag:$0x2] =	stream.indirect_vreg.gather [hbm4b:s1+s3], $0x80, v3, vm0, $0xb8;
	[tilespmem:$0x1E800] =	vst v63  }
0x209: {  	s10 =	simm.s32 $0x8800  }
0x20a: {  	[tilespmem:s10], [sflag:$0x2] =	stream.indirect_vreg.gather [hbm4b:s5+s3], $0x80, v3, vm0, $0xb8;
	[tilespmem:$0x1E800] =	vst v63  }
0x20b: {  	s10 =	simm.s32 $0x9000  }
0x20c: {  	[tilespmem:s10], [sflag:$0x2] =	stream.indirect_vreg.gather [hbm4b:s6+s3], $0x80, v3, vm0, $0xb8;
	[tilespmem:$0x1E800] =	vst v63  }
0x20d: {  	v3 =	vld [tilespmem:$0x590];
	_ =	sdelay $0x4  }
0x20e: {  	v55 =	vshrl.u32 v3, $0x3  }
0x20f: {  	v4 =	vmul.u32 $0x30, v55  }
0x210: {  	v3 =	vand.u32 $0x7, v3  }
0x211: {  	v3 =	vor.u32 v3, v4  }
0x212: {  	v4 =	vperm.xlane v3, v0;
	_ =	sdelay $0x1  }
0x213: {  	v4 =	vadd.s32 v1, v4;
	_ =	sdelay $0x3  }
0x214: {  	s10 =	simm.s32 $0x9800;
	v3 =	vperm.xlane v3, v2  }
0x215: {  	[tilespmem:s10], [sflag:$0x2] =	stream.indirect_vreg.gather [hbm4b:s1+s3], $0x80, v4, vm0, $0xb8;
	[tilespmem:$0x1E800] =	vst v63  }
0x216: {  	v3 =	vadd.s32 v1, v3;
	s10 =	simm.s32 $0xA000  }
0x217: {  	[tilespmem:s10], [sflag:$0x2] =	stream.indirect_vreg.gather [hbm4b:s5+s3], $0x80, v4, vm0, $0xb8;
	[tilespmem:$0x1E800] =	vst v63  }
0x218: {  	s10 =	simm.s32 $0xA800  }
0x219: {  	[tilespmem:s10], [sflag:$0x2] =	stream.indirect_vreg.gather [hbm4b:s6+s3], $0x80, v4, vm0, $0xb8;
	[tilespmem:$0x1E800] =	vst v63  }
0x21a: {  	s10 =	simm.s32 $0xB000  }
0x21b: {  	[tilespmem:s10], [sflag:$0x2] =	stream.indirect_vreg.gather [hbm4b:s1+s3], $0x80, v3, vm0, $0xb8;
	[tilespmem:$0x1E800] =	vst v63  }
0x21c: {  	s10 =	simm.s32 $0xB800  }
0x21d: {  	[tilespmem:s10], [sflag:$0x2] =	stream.indirect_vreg.gather [hbm4b:s5+s3], $0x80, v3, vm0, $0xb8;
	[tilespmem:$0x1E800] =	vst v63  }
0x21e: {  	_ = 	snop  }
0x21f: {  	[tilespmem:s20], [sflag:$0x2] =	stream.indirect_vreg.gather [hbm4b:s6+s3], $0x80, v3, vm0, $0xb8;
	[tilespmem:$0x1E800] =	vst v63  }
0x220: {  	_ =	swait.ge [sflag:s30], $0x6000  }
0x221: {  	[sflag:s30] =	ssyncset.done $0x0  }
0x222: {  	s10 =	rddreg [dreg:$0xd];
	[sflag:s30] =	ssyncadd.s32 $0xFFFFA000  }
0x223: {  	[hbm4b:s10+s3] =	stream.linear.scatter [tilespmem:s9], [sflag:$0xA], $0x6000, $0x38;
	[tilespmem:$0x1E800] =	vst v63  }
0x224: {  	_ =	swait.ge [sflag:s31], $0x6000  }
0x225: {  	[sflag:s31] =	ssyncset.done $0x0  }
0x226: {  	[sflag:s31] =	ssyncadd.s32 $0xFFFFA000  }
0x227: {  	v3 =	vld [tilespmem:$0x600];
	_ =	sdelay $0x4  }
0x228: {  	v56 =	vshrl.u32 v3, $0x3  }
0x229: {  	v4 =	vmul.u32 $0x30, v56  }
0x22a: {  	v3 =	vand.u32 $0x7, v3  }
0x22b: {  	v3 =	vor.u32 v3, v4  }
0x22c: {  	v4 =	vperm.xlane v3, v0;
	_ =	sdelay $0x1  }
0x22d: {  	v4 =	vadd.s32 v1, v4;
	_ =	sdelay $0x3  }
0x22e: {  	v3 =	vperm.xlane v3, v2  }
0x22f: {  	[tilespmem:s21], [sflag:$0x3] =	stream.indirect_vreg.gather [hbm4b:s1+s3], $0x80, v4, vm0, $0xb8;
	[tilespmem:$0x1E800] =	vst v63  }
0x230: {  	s10 =	simm.s32 $0xD000;
	v3 =	vadd.s32 v1, v3  }
0x231: {  	[tilespmem:s10], [sflag:$0x3] =	stream.indirect_vreg.gather [hbm4b:s5+s3], $0x80, v4, vm0, $0xb8;
	[tilespmem:$0x1E800] =	vst v63  }
0x232: {  	s10 =	simm.s32 $0xD800  }
0x233: {  	[tilespmem:s10], [sflag:$0x3] =	stream.indirect_vreg.gather [hbm4b:s6+s3], $0x80, v4, vm0, $0xb8;
	[tilespmem:$0x1E800] =	vst v63  }
0x234: {  	s10 =	simm.s32 $0xE000  }
0x235: {  	[tilespmem:s10], [sflag:$0x3] =	stream.indirect_vreg.gather [hbm4b:s1+s3], $0x80, v3, vm0, $0xb8;
	[tilespmem:$0x1E800] =	vst v63  }
0x236: {  	s10 =	simm.s32 $0xE800  }
0x237: {  	[tilespmem:s10], [sflag:$0x3] =	stream.indirect_vreg.gather [hbm4b:s5+s3], $0x80, v3, vm0, $0xb8;
	[tilespmem:$0x1E800] =	vst v63  }
0x238: {  	s10 =	simm.s32 $0xF000  }
0x239: {  	[tilespmem:s10], [sflag:$0x3] =	stream.indirect_vreg.gather [hbm4b:s6+s3], $0x80, v3, vm0, $0xb8;
	[tilespmem:$0x1E800] =	vst v63  }
0x23a: {  	v3 =	vld [tilespmem:$0x610];
	_ =	sdelay $0x4  }
0x23b: {  	v57 =	vshrl.u32 v3, $0x3  }
0x23c: {  	v4 =	vmul.u32 $0x30, v57  }
0x23d: {  	v3 =	vand.u32 $0x7, v3  }
0x23e: {  	v3 =	vor.u32 v3, v4  }
0x23f: {  	v4 =	vperm.xlane v3, v0;
	_ =	sdelay $0x1  }
0x240: {  	v4 =	vadd.s32 v1, v4;
	_ =	sdelay $0x3  }
0x241: {  	s10 =	simm.s32 $0xF800;
	v3 =	vperm.xlane v3, v2  }
0x242: {  	[tilespmem:s10], [sflag:$0x3] =	stream.indirect_vreg.gather [hbm4b:s1+s3], $0x80, v4, vm0, $0xb8;
	[tilespmem:$0x1E800] =	vst v63  }
0x243: {  	v3 =	vadd.s32 v1, v3;
	s10 =	simm.s32 $0x10000  }
0x244: {  	[tilespmem:s10], [sflag:$0x3] =	stream.indirect_vreg.gather [hbm4b:s5+s3], $0x80, v4, vm0, $0xb8;
	[tilespmem:$0x1E800] =	vst v63  }
0x245: {  	s10 =	simm.s32 $0x10800  }
0x246: {  	[tilespmem:s10], [sflag:$0x3] =	stream.indirect_vreg.gather [hbm4b:s6+s3], $0x80, v4, vm0, $0xb8;
	[tilespmem:$0x1E800] =	vst v63  }
0x247: {  	s10 =	simm.s32 $0x11000  }
0x248: {  	[tilespmem:s10], [sflag:$0x3] =	stream.indirect_vreg.gather [hbm4b:s1+s3], $0x80, v3, vm0, $0xb8;
	[tilespmem:$0x1E800] =	vst v63  }
0x249: {  	s10 =	simm.s32 $0x11800  }
0x24a: {  	[tilespmem:s10], [sflag:$0x3] =	stream.indirect_vreg.gather [hbm4b:s5+s3], $0x80, v3, vm0, $0xb8;
	[tilespmem:$0x1E800] =	vst v63  }
0x24b: {  	s10 =	simm.s32 $0x12000  }
0x24c: {  	[tilespmem:s10], [sflag:$0x3] =	stream.indirect_vreg.gather [hbm4b:s6+s3], $0x80, v3, vm0, $0xb8;
	[tilespmem:$0x1E800] =	vst v63  }
0x24d: {  	_ =	swait.ge [sflag:s23], $0x6000  }
0x24e: {  	[sflag:s23] =	ssyncset.done $0x0  }
0x24f: {  	s10 =	rddreg [dreg:$0xe];
	[sflag:s23] =	ssyncadd.s32 $0xFFFFA000  }
0x250: {  	[hbm4b:s10+s3] =	stream.linear.scatter [tilespmem:s18], [sflag:$0x6], $0x6000, $0x38;
	[tilespmem:$0x1E800] =	vst v63  }
0x251: {  	_ =	swait.ge [sflag:s2], $0x6000  }
0x252: {  	[sflag:s2] =	ssyncset.done $0x0  }
0x253: {  	[sflag:s2] =	ssyncadd.s32 $0xFFFFA000  }
0x254: {  	v3 =	vld [tilespmem:$0x680];
	_ =	sdelay $0x4  }
0x255: {  	v58 =	vshrl.u32 v3, $0x3  }
0x256: {  	v4 =	vmul.u32 $0x30, v58  }
0x257: {  	v3 =	vand.u32 $0x7, v3  }
0x258: {  	v3 =	vor.u32 v3, v4  }
0x259: {  	v4 =	vperm.xlane v3, v0;
	_ =	sdelay $0x1  }
0x25a: {  	v4 =	vadd.s32 v1, v4;
	_ =	sdelay $0x3  }
0x25b: {  	v3 =	vperm.xlane v3, v2  }
0x25c: {  	[tilespmem:s0], [sflag:$0x4] =	stream.indirect_vreg.gather [hbm4b:s1+s3], $0x80, v4, vm0, $0xb8;
	[tilespmem:$0x1E800] =	vst v63  }
0x25d: {  	s10 =	simm.s32 $0x13000;
	v3 =	vadd.s32 v1, v3  }
0x25e: {  	[tilespmem:s10], [sflag:$0x4] =	stream.indirect_vreg.gather [hbm4b:s5+s3], $0x80, v4, vm0, $0xb8;
	[tilespmem:$0x1E800] =	vst v63  }
0x25f: {  	s10 =	simm.s32 $0x13800  }
0x260: {  	[tilespmem:s10], [sflag:$0x4] =	stream.indirect_vreg.gather [hbm4b:s6+s3], $0x80, v4, vm0, $0xb8;
	[tilespmem:$0x1E800] =	vst v63  }
0x261: {  	s10 =	simm.s32 $0x14000  }
0x262: {  	[tilespmem:s10], [sflag:$0x4] =	stream.indirect_vreg.gather [hbm4b:s1+s3], $0x80, v3, vm0, $0xb8;
	[tilespmem:$0x1E800] =	vst v63  }
0x263: {  	s10 =	simm.s32 $0x14800  }
0x264: {  	[tilespmem:s10], [sflag:$0x4] =	stream.indirect_vreg.gather [hbm4b:s5+s3], $0x80, v3, vm0, $0xb8;
	[tilespmem:$0x1E800] =	vst v63  }
0x265: {  	s10 =	simm.s32 $0x15000  }
0x266: {  	[tilespmem:s10], [sflag:$0x4] =	stream.indirect_vreg.gather [hbm4b:s6+s3], $0x80, v3, vm0, $0xb8;
	[tilespmem:$0x1E800] =	vst v63  }
0x267: {  	v3 =	vld [tilespmem:$0x690];
	_ =	sdelay $0x4  }
0x268: {  	v59 =	vshrl.u32 v3, $0x3  }
0x269: {  	v4 =	vmul.u32 $0x30, v59  }
0x26a: {  	v3 =	vand.u32 $0x7, v3  }
0x26b: {  	v3 =	vor.u32 v3, v4  }
0x26c: {  	v4 =	vperm.xlane v3, v0;
	_ =	sdelay $0x1  }
0x26d: {  	v4 =	vadd.s32 v1, v4;
	_ =	sdelay $0x3  }
0x26e: {  	s10 =	simm.s32 $0x15800;
	v3 =	vperm.xlane v3, v2  }
0x26f: {  	[tilespmem:s10], [sflag:$0x4] =	stream.indirect_vreg.gather [hbm4b:s1+s3], $0x80, v4, vm0, $0xb8;
	[tilespmem:$0x1E800] =	vst v63  }
0x270: {  	v3 =	vadd.s32 v1, v3;
	s10 =	simm.s32 $0x16000  }
0x271: {  	[tilespmem:s10], [sflag:$0x4] =	stream.indirect_vreg.gather [hbm4b:s5+s3], $0x80, v4, vm0, $0xb8;
	[tilespmem:$0x1E800] =	vst v63  }
0x272: {  	s10 =	simm.s32 $0x16800  }
0x273: {  	[tilespmem:s10], [sflag:$0x4] =	stream.indirect_vreg.gather [hbm4b:s6+s3], $0x80, v4, vm0, $0xb8;
	[tilespmem:$0x1E800] =	vst v63  }
0x274: {  	s10 =	simm.s32 $0x17000  }
0x275: {  	[tilespmem:s10], [sflag:$0x4] =	stream.indirect_vreg.gather [hbm4b:s1+s3], $0x80, v3, vm0, $0xb8;
	[tilespmem:$0x1E800] =	vst v63  }
0x276: {  	s10 =	simm.s32 $0x17800  }
0x277: {  	[tilespmem:s10], [sflag:$0x4] =	stream.indirect_vreg.gather [hbm4b:s5+s3], $0x80, v3, vm0, $0xb8;
	[tilespmem:$0x1E800] =	vst v63  }
0x278: {  	s10 =	simm.s32 $0x18000  }
0x279: {  	[tilespmem:s10], [sflag:$0x4] =	stream.indirect_vreg.gather [hbm4b:s6+s3], $0x80, v3, vm0, $0xb8;
	[tilespmem:$0x1E800] =	vst v63  }
0x27a: {  	_ =	swait.ge [sflag:s24], $0x6000  }
0x27b: {  	[sflag:s24] =	ssyncset.done $0x0  }
0x27c: {  	s10 =	rddreg [dreg:$0xf];
	[sflag:s24] =	ssyncadd.s32 $0xFFFFA000  }
0x27d: {  	[hbm4b:s10+s3] =	stream.linear.scatter [tilespmem:s4], [sflag:$0x7], $0x6000, $0x38;
	[tilespmem:$0x1E800] =	vst v63  }
0x27e: {  	_ =	swait.ge [sflag:s22], $0x6000  }
0x27f: {  	[sflag:s22] =	ssyncset.done $0x0  }
0x280: {  	[sflag:s22] =	ssyncadd.s32 $0xFFFFA000  }
0x281: {  	v3 =	vld [tilespmem:$0x700];
	_ =	sdelay $0x4  }
0x282: {  	v60 =	vshrl.u32 v3, $0x3  }
0x283: {  	v4 =	vmul.u32 $0x30, v60  }
0x284: {  	v3 =	vand.u32 $0x7, v3  }
0x285: {  	v3 =	vor.u32 v3, v4  }
0x286: {  	v4 =	vperm.xlane v3, v0;
	_ =	sdelay $0x1  }
0x287: {  	v4 =	vadd.s32 v1, v4;
	_ =	sdelay $0x3  }
0x288: {  	v3 =	vperm.xlane v3, v2  }
0x289: {  	[tilespmem:s9], [sflag:$0x5] =	stream.indirect_vreg.gather [hbm4b:s1+s3], $0x80, v4, vm0, $0xb8;
	[tilespmem:$0x1E800] =	vst v63  }
0x28a: {  	s19 =	simm.s32 $0x19000;
	v3 =	vadd.s32 v1, v3  }
0x28b: {  	[tilespmem:s19], [sflag:$0x5] =	stream.indirect_vreg.gather [hbm4b:s5+s3], $0x80, v4, vm0, $0xb8;
	[tilespmem:$0x1E800] =	vst v63  }
0x28c: {  	s10 =	simm.s32 $0x19800  }
0x28d: {  	[tilespmem:s10], [sflag:$0x5] =	stream.indirect_vreg.gather [hbm4b:s6+s3], $0x80, v4, vm0, $0xb8;
	[tilespmem:$0x1E800] =	vst v63  }
0x28e: {  	s19 =	simm.s32 $0x1A000  }
0x28f: {  	[tilespmem:s19], [sflag:$0x5] =	stream.indirect_vreg.gather [hbm4b:s1+s3], $0x80, v3, vm0, $0xb8;
	[tilespmem:$0x1E800] =	vst v63  }
0x290: {  	s10 =	simm.s32 $0x1A800  }
0x291: {  	[tilespmem:s10], [sflag:$0x5] =	stream.indirect_vreg.gather [hbm4b:s5+s3], $0x80, v3, vm0, $0xb8;
	[tilespmem:$0x1E800] =	vst v63  }
0x292: {  	s19 =	simm.s32 $0x1B000  }
0x293: {  	[tilespmem:s19], [sflag:$0x5] =	stream.indirect_vreg.gather [hbm4b:s6+s3], $0x80, v3, vm0, $0xb8;
	[tilespmem:$0x1E800] =	vst v63  }
0x294: {  	v3 =	vld [tilespmem:$0x710];
	_ =	sdelay $0x4  }
0x295: {  	v61 =	vshrl.u32 v3, $0x3  }
0x296: {  	v4 =	vmul.u32 $0x30, v61  }
0x297: {  	v3 =	vand.u32 $0x7, v3  }
0x298: {  	v3 =	vor.u32 v3, v4  }
0x299: {  	v4 =	vperm.xlane v3, v0;
	_ =	sdelay $0x1  }
0x29a: {  	v4 =	vadd.s32 v1, v4;
	_ =	sdelay $0x3  }
0x29b: {  	s10 =	simm.s32 $0x1B800;
	v3 =	vperm.xlane v3, v2  }
0x29c: {  	[tilespmem:s10], [sflag:$0x5] =	stream.indirect_vreg.gather [hbm4b:s1+s3], $0x80, v4, vm0, $0xb8;
	[tilespmem:$0x1E800] =	vst v63  }
0x29d: {  	s19 =	simm.s32 $0x1C000;
	v3 =	vadd.s32 v1, v3  }
0x29e: {  	[tilespmem:s19], [sflag:$0x5] =	stream.indirect_vreg.gather [hbm4b:s5+s3], $0x80, v4, vm0, $0xb8;
	[tilespmem:$0x1E800] =	vst v63  }
0x29f: {  	s10 =	simm.s32 $0x1C800  }
0x2a0: {  	[tilespmem:s10], [sflag:$0x5] =	stream.indirect_vreg.gather [hbm4b:s6+s3], $0x80, v4, vm0, $0xb8;
	[tilespmem:$0x1E800] =	vst v63  }
0x2a1: {  	s19 =	simm.s32 $0x1D000  }
0x2a2: {  	[tilespmem:s19], [sflag:$0x5] =	stream.indirect_vreg.gather [hbm4b:s1+s3], $0x80, v3, vm0, $0xb8;
	[tilespmem:$0x1E800] =	vst v63  }
0x2a3: {  	s10 =	simm.s32 $0x1D800  }
0x2a4: {  	[tilespmem:s10], [sflag:$0x5] =	stream.indirect_vreg.gather [hbm4b:s5+s3], $0x80, v3, vm0, $0xb8;
	[tilespmem:$0x1E800] =	vst v63  }
0x2a5: {  	s19 =	simm.s32 $0x1E000  }
0x2a6: {  	[tilespmem:s19], [sflag:$0x5] =	stream.indirect_vreg.gather [hbm4b:s6+s3], $0x80, v3, vm0, $0xb8;
	[tilespmem:$0x1E800] =	vst v63  }
0x2a7: {  	_ =	swait.ge [sflag:s25], $0x6000  }
0x2a8: {  	[sflag:s25] =	ssyncset.done $0x0  }
0x2a9: {  	s4 =	rddreg [dreg:$0x10];
	[sflag:s25] =	ssyncadd.s32 $0xFFFFA000  }
0x2aa: {  	[hbm4b:s4+s3] =	stream.linear.scatter [tilespmem:s21], [sflag:$0x8], $0x6000, $0x38;
	[tilespmem:$0x1E800] =	vst v63  }
0x2ab: {  	_ =	swait.ge [sflag:s26], $0x6000  }
0x2ac: {  	[sflag:s26] =	ssyncset.done $0x0  }
0x2ad: {  	[sflag:s26] =	ssyncadd.s32 $0xFFFFA000  }
0x2ae: {  	v3 =	vld [tilespmem:$0x780];
	_ =	sdelay $0x4  }
0x2af: {  	v62 =	vshrl.u32 v3, $0x3  }
0x2b0: {  	v4 =	vmul.u32 $0x30, v62  }
0x2b1: {  	v3 =	vand.u32 $0x7, v3  }
0x2b2: {  	v3 =	vor.u32 v3, v4  }
0x2b3: {  	v4 =	vperm.xlane v3, v0;
	_ =	sdelay $0x1  }
0x2b4: {  	v4 =	vadd.s32 v1, v4;
	_ =	sdelay $0x3  }
0x2b5: {  	v3 =	vperm.xlane v3, v2  }
0x2b6: {  	[tilespmem:s18], [sflag:$0x1] =	stream.indirect_vreg.gather [hbm4b:s1+s3], $0x80, v4, vm0, $0xb8;
	[tilespmem:$0x1E800] =	vst v63  }
0x2b7: {  	s8 =	simm.s32 $0x1000;
	v3 =	vadd.s32 v1, v3  }
0x2b8: {  	[tilespmem:s8], [sflag:$0x1] =	stream.indirect_vreg.gather [hbm4b:s5+s3], $0x80, v4, vm0, $0xb8;
	[tilespmem:$0x1E800] =	vst v63  }
0x2b9: {  	s11 =	simm.s32 $0x1800  }
0x2ba: {  	[tilespmem:s11], [sflag:$0x1] =	stream.indirect_vreg.gather [hbm4b:s6+s3], $0x80, v4, vm0, $0xb8;
	[tilespmem:$0x1E800] =	vst v63  }
0x2bb: {  	s12 =	simm.s32 $0x2000  }
0x2bc: {  	[tilespmem:s12], [sflag:$0x1] =	stream.indirect_vreg.gather [hbm4b:s1+s3], $0x80, v3, vm0, $0xb8;
	[tilespmem:$0x1E800] =	vst v63  }
0x2bd: {  	s13 =	simm.s32 $0x2800  }
0x2be: {  	[tilespmem:s13], [sflag:$0x1] =	stream.indirect_vreg.gather [hbm4b:s5+s3], $0x80, v3, vm0, $0xb8;
	[tilespmem:$0x1E800] =	vst v63  }
0x2bf: {  	s12 =	simm.s32 $0x3000  }
0x2c0: {  	[tilespmem:s12], [sflag:$0x1] =	stream.indirect_vreg.gather [hbm4b:s6+s3], $0x80, v3, vm0, $0xb8;
	[tilespmem:$0x1E800] =	vst v63  }
0x2c1: {  	v3 =	vld [tilespmem:$0x790];
	_ =	sdelay $0x4  }
0x2c2: {  	v63 =	vshrl.u32 v3, $0x3  }
0x2c3: {  	v4 =	vmul.u32 $0x30, v63  }
0x2c4: {  	v3 =	vand.u32 $0x7, v3  }
0x2c5: {  	v3 =	vor.u32 v3, v4  }
0x2c6: {  	v4 =	vperm.xlane v3, v0;
	_ =	sdelay $0x1  }
0x2c7: {  	v4 =	vadd.s32 v1, v4;
	_ =	sdelay $0x3  }
0x2c8: {  	s13 =	simm.s32 $0x3800;
	v3 =	vperm.xlane v3, v2  }
0x2c9: {  	[tilespmem:s13], [sflag:$0x1] =	stream.indirect_vreg.gather [hbm4b:s1+s3], $0x80, v4, vm0, $0xb8;
	[tilespmem:$0x1E800] =	vst v63  }
0x2ca: {  	s14 =	simm.s32 $0x4000;
	v3 =	vadd.s32 v1, v3  }
0x2cb: {  	[tilespmem:s14], [sflag:$0x1] =	stream.indirect_vreg.gather [hbm4b:s5+s3], $0x80, v4, vm0, $0xb8;
	[tilespmem:$0x1E800] =	vst v63  }
0x2cc: {  	s15 =	simm.s32 $0x4800  }
0x2cd: {  	[tilespmem:s15], [sflag:$0x1] =	stream.indirect_vreg.gather [hbm4b:s6+s3], $0x80, v4, vm0, $0xb8;
	[tilespmem:$0x1E800] =	vst v63  }
0x2ce: {  	s16 =	simm.s32 $0x5000  }
0x2cf: {  	[tilespmem:s16], [sflag:$0x1] =	stream.indirect_vreg.gather [hbm4b:s1+s3], $0x80, v3, vm0, $0xb8;
	[tilespmem:$0x1E800] =	vst v63  }
0x2d0: {  	s17 =	simm.s32 $0x5800  }
0x2d1: {  	[tilespmem:s17], [sflag:$0x1] =	stream.indirect_vreg.gather [hbm4b:s5+s3], $0x80, v3, vm0, $0xb8;
	[tilespmem:$0x1E800] =	vst v63  }
0x2d2: {  	s15 =	simm.s32 $0x6000  }
0x2d3: {  	[tilespmem:s15], [sflag:$0x1] =	stream.indirect_vreg.gather [hbm4b:s6+s3], $0x80, v3, vm0, $0xb8;
	[tilespmem:$0x1E800] =	vst v63  }
0x2d4: {  	_ =	swait.ge [sflag:s28], $0x6000  }
0x2d5: {  	[sflag:s28] =	ssyncset.done $0x0  }
0x2d6: {  	s16 =	rddreg [dreg:$0x11];
	[sflag:s28] =	ssyncadd.s32 $0xFFFFA000  }
0x2d7: {  	[hbm4b:s16+s3] =	stream.linear.scatter [tilespmem:s0], [sflag:$0x9], $0x6000, $0x38;
	[tilespmem:$0x1E800] =	vst v63  }
0x2d8: {  	_ =	swait.ge [sflag:s30], $0x6000  }
0x2d9: {  	[sflag:s30] =	ssyncset.done $0x0  }
0x2da: {  	s17 =	rddreg [dreg:$0x12];
	[sflag:s30] =	ssyncadd.s32 $0xFFFFA000  }
0x2db: {  	[hbm4b:s17+s3] =	stream.linear.scatter [tilespmem:s9], [sflag:$0xA], $0x6000, $0x38;
	[tilespmem:$0x1E800] =	vst v63  }
0x2dc: {  	_ =	swait.ge [sflag:s23], $0x6000  }
0x2dd: {  	[sflag:s23] =	ssyncset.done $0x0  }
0x2de: {  	s19 =	rddreg [dreg:$0x13];
	[sflag:s23] =	ssyncadd.s32 $0xFFFFA000  }
0x2df: {  	[hbm4b:s19+s3] =	stream.linear.scatter [tilespmem:s18], [sflag:$0x6], $0x6000, $0x38;
	[tilespmem:$0x1E800] =	vst v63  }
0x2e0: {  	_ =	swait.ge [sflag:s29], $0x6000  }
0x2e1: {  	[sflag:s29] =	ssyncset.done $0x0  }
0x2e2: {  	[sflag:s29] =	ssyncadd.s32 $0xFFFFA000  }
0x2e3: {  	_ =	swait.ge [sflag:s31], $0x6000  }
0x2e4: {  	[sflag:s31] =	ssyncset.done $0x0  }
0x2e5: {  	[sflag:s31] =	ssyncadd.s32 $0xFFFFA000  }
0x2e6: {  	_ =	swait.ge [sflag:s2], $0x6000  }
0x2e7: {  	[sflag:s2] =	ssyncset.done $0x0  }
0x2e8: {  	[sflag:s2] =	ssyncadd.s32 $0xFFFFA000  }
0x2e9: {  	p0 =	sne.s32 s7, $0x1;
	_ =	swait.ge [sflag:s22], $0x6000  }
.Ltmp0:
0x2ea: {  	[sflag:s22] =	ssyncset.done $0x0;
	(pc) =	sbr.rel @p0 .LBB2_1-.Ltmp0, $4  }
0x2eb: {  	[sflag:s22] =	ssyncadd.s32 $0xFFFFA000  }
0x2ec: {  	_ =	swait.ge [sflag:s26], $0x6000  }
0x2ed: {  	[sflag:s26] =	ssyncset.done $0x0  }
0x2ee: {  	s7 =	sadd.s32 $0xFFFFFFFF, s7;
	[sflag:s26] =	ssyncadd.s32 $0xFFFFA000  }
0x2ef: {  	_ =	sfence.sel $0x180000  }
0x2f0: {  	[bflag:$0x0] =	sbarrier.arrive $0xFFFF  }
0x2f1: {  	_ =	strace $0x90000047  }
0x2f2: {  	s0 =	stileid.u32;
	[bflag:$0x2] =	sbarrier.arrive $0xFFFF  }
0x2f3: {  	p0 =	sne.s32 s0, $0x0;
	s0 =	rddreg [dreg:$0x3]  }
0x2f4: {  	s0 =	sadd.s32 @!p0 $0x100000, s0  }
0x2f5: {  	[sflag:s0] =	ssyncadd.tile.s32 @!p0 $0x1;
	_ =	shalt  }
.Lfunc_end2:
_tile_overlayer_lowered:
.L_overlay_start_2:
0x2f6: {  	(tag) =	ssettag $0x2  }
0x2f7: {  	s0 =	rddreg [dreg:$0x0];
	s2 =	stileid.u32  }
0x2f8: {  	s1 =	rddreg [dreg:$0x1];
	p0 =	sne.s32 s2, $0x0  }
0x2f9: {  	s3 =	rddreg [dreg:$0x2];
	[bflag:$0x3] =	sbarrier.arrive $0xFFFF;
	s2 =	simm.s32 @!p0 $0x1C0B  }
0x2fa: {  	[timem:s3], [sflag:s2] =	dma.local @!p0 [hbm:s0], s1  }
0x2fb: {  	s0 =	simm.s32 @!p0 $0xB  }
0x2fc: {  	_ =	swait.ge @!p0 [sflag:s0], s1  }
0x2fd: {  	s1 =	ssub.s32 @!p0 $0x0, s1;
	[sflag:s0] =	ssyncset.done @!p0 $0x0  }
0x2fe: {  	[sflag:s0] =	ssyncadd.s32 @!p0 s1  }
0x2ff: {  	[bflag:$0x3] =	sbarrier.arrive $0xFFFF  }
0x300: {  	_ =	shalt  }

</sc_bundles>
